<compile_context>
chip_gen: v7x
topology: tpu7x:2x2x1
jax: 0.10.2.dev20260603
libtpu: 0.0.44.dev20260713+nightly
codegen_flags: <defaults>
</compile_context>

<pallas_src>
import functools

import jax
import jax.numpy as jnp
from jax import lax
from jax.experimental import pallas as pl
from jax.experimental.pallas import tpu as pltpu
from jax.experimental.pallas import tpu_sc as plsc

N = 10000
E = 320000
IN_CH = 128
OUT_CH = 64

NC, NS = 2, 16
NW = NC * NS
NPAD = 10240
RPT = NPAD // NS
CHUNK = 128

E_H = 323584
CH_H = E_H // CHUNK
CPW_H = CH_H // NW

CPW_S = 81
E_S = NW * CPW_S * CHUNK

_MESH = plsc.VectorSubcoreMesh(core_axis_name="c", subcore_axis_name="s")


@functools.partial(
    pl.kernel,
    out_type=jax.ShapeDtypeStruct((NC, 1, NPAD), jnp.float32),
    mesh=_MESH,
    scratch_types=[
        pltpu.VMEM((CHUNK,), jnp.float32),
        pltpu.VMEM((CPW_H, CHUNK), jnp.int32),
        pltpu.VMEM_SHARED((NPAD,), jnp.float32),
    ],
)
def _hist(dst_hbm, zeros_hbm, deg_hbm, ones_v, idx_v, table):
    cid = lax.axis_index("c")
    sid = lax.axis_index("s")
    for i in range(CHUNK // 16):
        ones_v[pl.ds(i * 16, 16)] = jnp.full((16,), 1.0, jnp.float32)
    pltpu.sync_copy(dst_hbm.at[cid * NS + sid], idx_v)
    pltpu.sync_copy(zeros_hbm, table.at[pl.ds(sid * RPT, RPT)])
    plsc.subcore_barrier()

    def step(j, carry):
        pltpu.sync_copy(ones_v, table.at[idx_v.at[j]], add=True)
        return carry

    lax.fori_loop(0, CPW_H, step, 0)
    plsc.subcore_barrier()
    pltpu.sync_copy(table.at[pl.ds(sid * RPT, RPT)],
                    deg_hbm.at[cid, 0, pl.ds(sid * RPT, RPT)])


R_BLK = 512
GRID = NPAD // R_BLK


W_ROW = 128


def _dense_body(x_ref, w_ref, deg_ref, h_ref):
    xw = jnp.dot(x_ref[...], w_ref[...], preferred_element_type=jnp.float32)
    d = deg_ref[...]
    dis = lax.rsqrt(d[0] + d[1] + 1.0)
    h_ref[...] = jnp.concatenate(
        [xw * dis, jnp.zeros((R_BLK, W_ROW - OUT_CH), jnp.float32)], axis=1)


def _dense(x, w, deg3):
    return pl.pallas_call(
        _dense_body,
        grid=(GRID,),
        in_specs=[
            pl.BlockSpec((R_BLK, IN_CH), lambda i: (i, 0)),
            pl.BlockSpec((IN_CH, OUT_CH), lambda i: (0, 0)),
            pl.BlockSpec((NC, R_BLK, 1), lambda i: (0, i, 0)),
        ],
        out_specs=pl.BlockSpec((R_BLK, W_ROW), lambda i: (i, 0)),
        out_shape=jax.ShapeDtypeStruct((N, W_ROW), jnp.float32),
    )(x, w, deg3)


@functools.partial(
    pl.kernel,
    out_type=jax.ShapeDtypeStruct((NC, NPAD, W_ROW), jnp.float32),
    mesh=_MESH,
    scratch_types=[
        pltpu.VMEM((CPW_S, CHUNK), jnp.int32),
        pltpu.VMEM((CPW_S, CHUNK), jnp.int32),
        pltpu.VMEM((CHUNK, W_ROW), jnp.float32),
        pltpu.SemaphoreType.DMA,
        pltpu.VMEM_SHARED((NPAD, W_ROW), jnp.float32),
    ],
)
def _scatter(h_hbm, src_hbm, dst_hbm, zeros_hbm, agg_hbm,
             idxs_v, idxd_v, rows_v, sem, acc):
    cid = lax.axis_index("c")
    sid = lax.axis_index("s")
    wid = cid * NS + sid
    pltpu.sync_copy(src_hbm.at[wid], idxs_v)
    pltpu.sync_copy(dst_hbm.at[wid], idxd_v)
    pltpu.sync_copy(zeros_hbm, acc.at[pl.ds(sid * RPT, RPT)])
    plsc.subcore_barrier()

    def step(j, carry):
        pltpu.async_copy(h_hbm.at[idxs_v.at[j]], rows_v, sem).wait()
        pltpu.sync_copy(rows_v, acc.at[idxd_v.at[j]], add=True)
        return carry

    lax.fori_loop(0, CPW_S, step, 0)

    plsc.subcore_barrier()
    pltpu.sync_copy(acc.at[pl.ds(sid * RPT, RPT)],
                    agg_hbm.at[cid, pl.ds(sid * RPT, RPT)])


def _finish_body(agg_ref, deg_ref, b_ref, a_ref, o_ref):
    m = agg_ref[...]
    s = m[0, :, :OUT_CH] + m[1, :, :OUT_CH]
    d = deg_ref[...]
    dis = lax.rsqrt(d[0] + d[1] + 1.0)
    o = s * dis + b_ref[...]
    o_ref[...] = jnp.where(o > 0, o, a_ref[...] * o)


def _finish(agg, deg3, b2, a2):
    return pl.pallas_call(
        _finish_body,
        grid=(GRID,),
        in_specs=[
            pl.BlockSpec((NC, R_BLK, W_ROW), lambda i: (0, i, 0)),
            pl.BlockSpec((NC, R_BLK, 1), lambda i: (0, i, 0)),
            pl.BlockSpec((1, OUT_CH), lambda i: (0, 0)),
            pl.BlockSpec((1, OUT_CH), lambda i: (0, 0)),
        ],
        out_specs=pl.BlockSpec((R_BLK, OUT_CH), lambda i: (i, 0)),
        out_shape=jax.ShapeDtypeStruct((N, OUT_CH), jnp.float32),
    )(agg, deg3, b2, a2)


def kernel(x, edge_index, W, b, prelu_a):
    src = edge_index[0].astype(jnp.int32)
    dst = edge_index[1].astype(jnp.int32)

    dst_h = jnp.concatenate(
        [dst, jnp.full((E_H - E,), N, jnp.int32)]).reshape(NW, CPW_H, CHUNK)
    zeros1 = jnp.zeros((RPT,), jnp.float32)
    deg = _hist(dst_h, zeros1)
    deg3 = deg.reshape(NC, NPAD, 1)

    h = _dense(x, W, deg3)

    loop = jnp.arange(N, dtype=jnp.int32)
    pad = E_S - E - N
    trash = N + jnp.arange(pad, dtype=jnp.int32) % (NPAD - N)
    srcp = jnp.concatenate(
        [src, loop, jnp.zeros((pad,), jnp.int32)]).reshape(NW, CPW_S, CHUNK)
    dstp = jnp.concatenate(
        [dst, loop, trash]).reshape(NW, CPW_S, CHUNK)
    zeros2 = jnp.zeros((RPT, W_ROW), jnp.float32)
    agg = _scatter(h, srcp, dstp, zeros2)

    return _finish(agg, deg3, b.reshape(1, OUT_CH), prelu_a.reshape(1, OUT_CH))

# --- scband reference (transcript-rebuilt; emitter-appended) ---
"""Pipeline reference for scband-encoder-5781025980487 (READ-ONLY COPY).

The authoritative reference and input builder live on the scoring server;
editing this copy changes nothing except your own understanding.
"""

import jax, jax.numpy as jnp
import numpy as np

N_NODES = 10000
N_EDGES = 320000
IN_CH = 128
OUT_CH = 64

def setup_inputs(seed: int = 0) -> dict:
    key = jax.random.key(seed)
    k1, k2, k3, k4 = jax.random.split(key, 4)
    x = jax.random.normal(k1, (N_NODES, IN_CH), dtype=jnp.float32)
    edge_index = jax.random.randint(k2, (2, N_EDGES), 0, N_NODES, dtype=jnp.int64)
    # GCNConv(128, 64) parameters (glorot weight, zero bias)
    limit = np.sqrt(6.0 / (IN_CH + OUT_CH))
    W = jax.random.uniform(k3, (IN_CH, OUT_CH), minval=-limit, maxval=limit, dtype=jnp.float32)
    b = jnp.zeros((OUT_CH,), dtype=jnp.float32)
    # PReLU(64) per-channel slope, init 0.25
    prelu_a = jnp.full((OUT_CH,), 0.25, dtype=jnp.float32)
    return {"x": x, "edge_index": edge_index, "W": W, "b": b, "prelu_a": prelu_a}

def reference(x, edge_index, W, b, prelu_a):
    N = x.shape[0]
    src = edge_index[0]
    dst = edge_index[1]
    # GCNConv with add_self_loops=True, normalize=True
    loop = jnp.arange(N, dtype=edge_index.dtype)
    src = jnp.concatenate([src, loop])
    dst = jnp.concatenate([dst, loop])
    deg = jnp.zeros((N,), dtype=x.dtype).at[dst].add(1.0)
    deg_inv_sqrt = jnp.where(deg > 0, 1.0 / jnp.sqrt(deg), 0.0)
    norm = deg_inv_sqrt[src] * deg_inv_sqrt[dst]
    h = x @ W
    msg = h[src] * norm[:, None]
    out = jnp.zeros((N, h.shape[1]), dtype=x.dtype).at[dst].add(msg)
    out = out + b
    # PReLU(64)
    out = jnp.where(out > 0, out, prelu_a[None, :] * out)
    return out

if __name__ == "__main__":
    import jax
    _d = setup_inputs()
    print(jax.jit(kernel)(*tuple(_d.values())))

</pallas_src>

<mosaic_0001>
#map = affine_map<(d0, d1) -> (0, 0, 0)>
#map1 = affine_map<(d0, d1) -> (0)>
module attributes {stable_mosaic.version = 14 : i64} {
  func.func @_hist(%arg0: i32, %arg1: i32, %arg2: memref<32x79x128xi32, #tpu.memory_space<hbm>>, %arg3: memref<640xf32, #tpu.memory_space<hbm>>, %arg4: memref<2x1x10240xf32, #tpu.memory_space<hbm>>, %arg5: memref<128xf32, #tpu.memory_space<vmem>>, %arg6: memref<79x128xi32, #tpu.memory_space<vmem>>, %arg7: memref<10240xf32, #tpu.memory_space<vmem_shared>>) attributes {dimension_semantics = [#tpu.dimension_semantics<core_parallel>, #tpu.dimension_semantics<subcore_parallel>], iteration_bounds = array<i64: 2, 16>, scalar_prefetch = 0 : i64, scratch_operands = 3 : i64, tpu.core_type = #tpu.core_type<sc_vector_subcore>, window_params = [{transform_indices = #map}, {transform_indices = #map1}, {transform_indices = #map}]} {
    %broadcast_in_dim3A = arith.constant 1.000000e+00 : f32
    %broadcast_in_dim3A_0 = vector.broadcast %broadcast_in_dim3A : f32 to vector<16xf32>
    %swap3A = arith.constant 0 : index
    %swap3A_1 = tpu.vector_load %arg5[%swap3A] {strides = array<i32>} : memref<128xf32, #tpu.memory_space<vmem>>, vector<16xf32>,
    %swap3A_2 = vector.shape_cast %swap3A_1 : vector<16xf32> to vector<16xf32>
    %swap3A_3 = vector.shape_cast %broadcast_in_dim3A_0 : vector<16xf32> to vector<16xf32>
    tpu.vector_store %arg5[%swap3A], %swap3A_3 {strides = array<i32>} : memref<128xf32, #tpu.memory_space<vmem>>, vector<16xf32>,
    %broadcast_in_dim3A_4 = arith.constant 1.000000e+00 : f32
    %broadcast_in_dim3A_5 = vector.broadcast %broadcast_in_dim3A_4 : f32 to vector<16xf32>
    %swap3A_6 = arith.constant 16 : index
    %swap3A_7 = tpu.vector_load %arg5[%swap3A_6] {strides = array<i32>} : memref<128xf32, #tpu.memory_space<vmem>>, vector<16xf32>,
    %swap3A_8 = vector.shape_cast %swap3A_7 : vector<16xf32> to vector<16xf32>
    %swap3A_9 = vector.shape_cast %broadcast_in_dim3A_5 : vector<16xf32> to vector<16xf32>
    tpu.vector_store %arg5[%swap3A_6], %swap3A_9 {strides = array<i32>} : memref<128xf32, #tpu.memory_space<vmem>>, vector<16xf32>,
    %broadcast_in_dim3A_10 = arith.constant 1.000000e+00 : f32
    %broadcast_in_dim3A_11 = vector.broadcast %broadcast_in_dim3A_10 : f32 to vector<16xf32>
    %swap3A_12 = arith.constant 32 : index
    %swap3A_13 = tpu.vector_load %arg5[%swap3A_12] {strides = array<i32>} : memref<128xf32, #tpu.memory_space<vmem>>, vector<16xf32>,
    %swap3A_14 = vector.shape_cast %swap3A_13 : vector<16xf32> to vector<16xf32>
    %swap3A_15 = vector.shape_cast %broadcast_in_dim3A_11 : vector<16xf32> to vector<16xf32>
    tpu.vector_store %arg5[%swap3A_12], %swap3A_15 {strides = array<i32>} : memref<128xf32, #tpu.memory_space<vmem>>, vector<16xf32>,
    %broadcast_in_dim3A_16 = arith.constant 1.000000e+00 : f32
    %broadcast_in_dim3A_17 = vector.broadcast %broadcast_in_dim3A_16 : f32 to vector<16xf32>
    %swap3A_18 = arith.constant 48 : index
    %swap3A_19 = tpu.vector_load %arg5[%swap3A_18] {strides = array<i32>} : memref<128xf32, #tpu.memory_space<vmem>>, vector<16xf32>,
    %swap3A_20 = vector.shape_cast %swap3A_19 : vector<16xf32> to vector<16xf32>
    %swap3A_21 = vector.shape_cast %broadcast_in_dim3A_17 : vector<16xf32> to vector<16xf32>
    tpu.vector_store %arg5[%swap3A_18], %swap3A_21 {strides = array<i32>} : memref<128xf32, #tpu.memory_space<vmem>>, vector<16xf32>,
    %broadcast_in_dim3A_22 = arith.constant 1.000000e+00 : f32
    %broadcast_in_dim3A_23 = vector.broadcast %broadcast_in_dim3A_22 : f32 to vector<16xf32>
    %swap3A_24 = arith.constant 64 : index
    %swap3A_25 = tpu.vector_load %arg5[%swap3A_24] {strides = array<i32>} : memref<128xf32, #tpu.memory_space<vmem>>, vector<16xf32>,
    %swap3A_26 = vector.shape_cast %swap3A_25 : vector<16xf32> to vector<16xf32>
    %swap3A_27 = vector.shape_cast %broadcast_in_dim3A_23 : vector<16xf32> to vector<16xf32>
    tpu.vector_store %arg5[%swap3A_24], %swap3A_27 {strides = array<i32>} : memref<128xf32, #tpu.memory_space<vmem>>, vector<16xf32>,
    %broadcast_in_dim3A_28 = arith.constant 1.000000e+00 : f32
    %broadcast_in_dim3A_29 = vector.broadcast %broadcast_in_dim3A_28 : f32 to vector<16xf32>
    %swap3A_30 = arith.constant 80 : index
    %swap3A_31 = tpu.vector_load %arg5[%swap3A_30] {strides = array<i32>} : memref<128xf32, #tpu.memory_space<vmem>>, vector<16xf32>,
    %swap3A_32 = vector.shape_cast %swap3A_31 : vector<16xf32> to vector<16xf32>
    %swap3A_33 = vector.shape_cast %broadcast_in_dim3A_29 : vector<16xf32> to vector<16xf32>
    tpu.vector_store %arg5[%swap3A_30], %swap3A_33 {strides = array<i32>} : memref<128xf32, #tpu.memory_space<vmem>>, vector<16xf32>,
    %broadcast_in_dim3A_34 = arith.constant 1.000000e+00 : f32
    %broadcast_in_dim3A_35 = vector.broadcast %broadcast_in_dim3A_34 : f32 to vector<16xf32>
    %swap3A_36 = arith.constant 96 : index
    %swap3A_37 = tpu.vector_load %arg5[%swap3A_36] {strides = array<i32>} : memref<128xf32, #tpu.memory_space<vmem>>, vector<16xf32>,
    %swap3A_38 = vector.shape_cast %swap3A_37 : vector<16xf32> to vector<16xf32>
    %swap3A_39 = vector.shape_cast %broadcast_in_dim3A_35 : vector<16xf32> to vector<16xf32>
    tpu.vector_store %arg5[%swap3A_36], %swap3A_39 {strides = array<i32>} : memref<128xf32, #tpu.memory_space<vmem>>, vector<16xf32>,
    %broadcast_in_dim3A_40 = arith.constant 1.000000e+00 : f32
    %broadcast_in_dim3A_41 = vector.broadcast %broadcast_in_dim3A_40 : f32 to vector<16xf32>
    %swap3A_42 = arith.constant 112 : index
    %swap3A_43 = tpu.vector_load %arg5[%swap3A_42] {strides = array<i32>} : memref<128xf32, #tpu.memory_space<vmem>>, vector<16xf32>,
    %swap3A_44 = vector.shape_cast %swap3A_43 : vector<16xf32> to vector<16xf32>
    %swap3A_45 = vector.shape_cast %broadcast_in_dim3A_41 : vector<16xf32> to vector<16xf32>
    tpu.vector_store %arg5[%swap3A_42], %swap3A_45 {strides = array<i32>} : memref<128xf32, #tpu.memory_space<vmem>>, vector<16xf32>,
    %mul3A = arith.constant 16 : i32
    %mul3A_46 = arith.muli %arg0, %mul3A : i32
    %add3A = arith.addi %mul3A_46, %arg1 : i32
    "tpu.region"() ({
      %run_scoped3A_59 = tpu.sem_alloc : memref<!tpu.dma_semaphore, #tpu.memory_space<semaphore_mem>>
      %dma_start3A = arith.constant 0 : i32
      %dma_start3A_60 = arith.constant 0 : i32
      %dma_start3A_61 = tpu.memref_slice %arg2[%add3A, %dma_start3A, %dma_start3A_60] : memref<32x79x128xi32, #tpu.memory_space<hbm>> -> memref<1x79x128xi32, #tpu.memory_space<hbm>>
      %dma_start3A_62 = tpu.memref_squeeze %dma_start3A_61 : memref<1x79x128xi32, #tpu.memory_space<hbm>> -> memref<79x128xi32, #tpu.memory_space<hbm>>
      %dma_start3A_63 = arith.constant 0 : i32
      %dma_start3A_64 = arith.constant 0 : i32
      %dma_start3A_65 = tpu.memref_slice %arg2[%add3A, %dma_start3A_63, %dma_start3A_64] : memref<32x79x128xi32, #tpu.memory_space<hbm>> -> memref<1x79x128xi32, #tpu.memory_space<hbm>>
      %dma_start3A_66 = tpu.memref_squeeze %dma_start3A_65 : memref<1x79x128xi32, #tpu.memory_space<hbm>> -> memref<79x128xi32, #tpu.memory_space<hbm>>
      tpu.enqueue_dma source(%dma_start3A_66 : memref<79x128xi32, #tpu.memory_space<hbm>>) target(%arg6 : memref<79x128xi32, #tpu.memory_space<vmem>>) target_semaphore(%run_scoped3A_59 : memref<!tpu.dma_semaphore, #tpu.memory_space<semaphore_mem>>)
      %dma_wait3A = arith.constant 0 : i32
      %dma_wait3A_67 = arith.constant 0 : i32
      %dma_wait3A_68 = tpu.memref_slice %arg2[%add3A, %dma_wait3A, %dma_wait3A_67] : memref<32x79x128xi32, #tpu.memory_space<hbm>> -> memref<1x79x128xi32, #tpu.memory_space<hbm>>
      %dma_wait3A_69 = tpu.memref_squeeze %dma_wait3A_68 : memref<1x79x128xi32, #tpu.memory_space<hbm>> -> memref<79x128xi32, #tpu.memory_space<hbm>>
      %dma_wait3A_70 = arith.constant 0 : i32
      %dma_wait3A_71 = arith.constant 0 : i32
      %dma_wait3A_72 = tpu.memref_slice %arg2[%add3A, %dma_wait3A_70, %dma_wait3A_71] : memref<32x79x128xi32, #tpu.memory_space<hbm>> -> memref<1x79x128xi32, #tpu.memory_space<hbm>>
      %dma_wait3A_73 = tpu.memref_squeeze %dma_wait3A_72 : memref<1x79x128xi32, #tpu.memory_space<hbm>> -> memref<79x128xi32, #tpu.memory_space<hbm>>
      tpu.wait_dma2 semaphore(%run_scoped3A_59 : memref<!tpu.dma_semaphore, #tpu.memory_space<semaphore_mem>>) src(%dma_wait3A_73 : memref<79x128xi32, #tpu.memory_space<hbm>>) dst(%arg6 : memref<79x128xi32, #tpu.memory_space<vmem>>)
      tpu.yield
    }) : () -> ()
    %mul3A_47 = arith.constant 640 : i32
    %mul3A_48 = arith.muli %arg1, %mul3A_47 : i32
    "tpu.region"() ({
      %run_scoped3A_59 = tpu.sem_alloc : memref<!tpu.dma_semaphore, #tpu.memory_space<semaphore_mem>>
      %dma_start3A = tpu.memref_slice %arg7[%mul3A_48] : memref<10240xf32, #tpu.memory_space<vmem_shared>> -> memref<640xf32, #tpu.memory_space<vmem_shared>>
      tpu.enqueue_dma source(%arg3 : memref<640xf32, #tpu.memory_space<hbm>>) target(%dma_start3A : memref<640xf32, #tpu.memory_space<vmem_shared>>) target_semaphore(%run_scoped3A_59 : memref<!tpu.dma_semaphore, #tpu.memory_space<semaphore_mem>>)
      %dma_wait3A = tpu.memref_slice %arg7[%mul3A_48] : memref<10240xf32, #tpu.memory_space<vmem_shared>> -> memref<640xf32, #tpu.memory_space<vmem_shared>>
      tpu.wait_dma2 semaphore(%run_scoped3A_59 : memref<!tpu.dma_semaphore, #tpu.memory_space<semaphore_mem>>) src(%arg3 : memref<640xf32, #tpu.memory_space<hbm>>) dst(%dma_wait3A : memref<640xf32, #tpu.memory_space<vmem_shared>>)
      tpu.yield
    }) : () -> ()
    %barrier3A = arith.constant 0 : index
    tpu.barrier barrier_id(%barrier3A)
    %scan3A = arith.constant 0 : i32
    %scan3A_49 = arith.constant 0 : i32
    %scan3A_50 = arith.constant 79 : i32
    %scan3A_51 = arith.addi %scan3A_49, %scan3A_50 : i32
    %scan3A_52 = arith.constant 1 : i32
    scf.for %scan3A_59 = %scan3A_49 to %scan3A_51 step %scan3A_52  : i32 {
      "tpu.region"() ({
        %run_scoped3A_60 = tpu.sem_alloc : memref<!tpu.dma_semaphore, #tpu.memory_space<semaphore_mem>>
        %dma_start3A = arith.constant 0 : i32
        %dma_start3A_61 = tpu.memref_slice %arg6[%scan3A_59, %dma_start3A] : memref<79x128xi32, #tpu.memory_space<vmem>> -> memref<1x128xi32, #tpu.memory_space<vmem>>
        %dma_start3A_62 = tpu.memref_squeeze %dma_start3A_61 : memref<1x128xi32, #tpu.memory_space<vmem>> -> memref<128xi32, #tpu.memory_space<vmem>>
        %dma_start3A_63 = arith.constant 0 : i32
        %dma_start3A_64 = tpu.memref_slice %arg7[%dma_start3A_63] : memref<10240xf32, #tpu.memory_space<vmem_shared>> -> memref<10240xf32, #tpu.memory_space<vmem_shared>>
        tpu.enqueue_indirect_dma source(%arg5 : memref<128xf32, #tpu.memory_space<vmem>>) target(%dma_start3A_64 : memref<10240xf32, #tpu.memory_space<vmem_shared>>) offsets(%dma_start3A_62 : memref<128xi32, #tpu.memory_space<vmem>>) semaphore(%run_scoped3A_60 : memref<!tpu.dma_semaphore, #tpu.memory_space<semaphore_mem>>) {add = true}
        %dma_wait3A = arith.constant 0 : i32
        %dma_wait3A_65 = tpu.memref_slice %arg6[%scan3A_59, %dma_wait3A] : memref<79x128xi32, #tpu.memory_space<vmem>> -> memref<1x128xi32, #tpu.memory_space<vmem>>
        %dma_wait3A_66 = tpu.memref_squeeze %dma_wait3A_65 : memref<1x128xi32, #tpu.memory_space<vmem>> -> memref<128xi32, #tpu.memory_space<vmem>>
        %dma_wait3A_67 = arith.constant 0 : i32
        %dma_wait3A_68 = tpu.memref_slice %arg7[%dma_wait3A_67] : memref<10240xf32, #tpu.memory_space<vmem_shared>> -> memref<10240xf32, #tpu.memory_space<vmem_shared>>
        tpu.wait_indirect_dma semaphore(%run_scoped3A_60 : memref<!tpu.dma_semaphore, #tpu.memory_space<semaphore_mem>>) src(%arg5 : memref<128xf32, #tpu.memory_space<vmem>>) dst(%dma_wait3A_68 : memref<10240xf32, #tpu.memory_space<vmem_shared>>)
        tpu.yield
      }) : () -> ()
    }
    %scan3A_53 = arith.constant 79 : i32
    %barrier3A_54 = arith.constant 0 : index
    tpu.barrier barrier_id(%barrier3A_54)
    %mul3A_55 = arith.constant 640 : i32
    %mul3A_56 = arith.muli %arg1, %mul3A_55 : i32
    %mul3A_57 = arith.constant 640 : i32
    %mul3A_58 = arith.muli %arg1, %mul3A_57 : i32
    %run_scoped3A = arith.constant 0 : i32
    "tpu.region"() ({
      %run_scoped3A_59 = tpu.sem_alloc : memref<!tpu.dma_semaphore, #tpu.memory_space<semaphore_mem>>
      %dma_start3A = tpu.memref_slice %arg4[%arg0, %run_scoped3A, %mul3A_58] : memref<2x1x10240xf32, #tpu.memory_space<hbm>> -> memref<1x1x640xf32, #tpu.memory_space<hbm>>
      %dma_start3A_60 = tpu.memref_squeeze %dma_start3A : memref<1x1x640xf32, #tpu.memory_space<hbm>> -> memref<640xf32, #tpu.memory_space<hbm>>
      %dma_start3A_61 = tpu.memref_slice %arg7[%mul3A_56] : memref<10240xf32, #tpu.memory_space<vmem_shared>> -> memref<640xf32, #tpu.memory_space<vmem_shared>>
      tpu.enqueue_dma source(%dma_start3A_61 : memref<640xf32, #tpu.memory_space<vmem_shared>>) target(%dma_start3A_60 : memref<640xf32, #tpu.memory_space<hbm>>) target_semaphore(%run_scoped3A_59 : memref<!tpu.dma_semaphore, #tpu.memory_space<semaphore_mem>>)
      %dma_wait3A = tpu.memref_slice %arg4[%arg0, %run_scoped3A, %mul3A_58] : memref<2x1x10240xf32, #tpu.memory_space<hbm>> -> memref<1x1x640xf32, #tpu.memory_space<hbm>>
      %dma_wait3A_62 = tpu.memref_squeeze %dma_wait3A : memref<1x1x640xf32, #tpu.memory_space<hbm>> -> memref<640xf32, #tpu.memory_space<hbm>>
      %dma_wait3A_63 = tpu.memref_slice %arg7[%mul3A_56] : memref<10240xf32, #tpu.memory_space<vmem_shared>> -> memref<640xf32, #tpu.memory_space<vmem_shared>>
      tpu.wait_dma2 semaphore(%run_scoped3A_59 : memref<!tpu.dma_semaphore, #tpu.memory_space<semaphore_mem>>) src(%dma_wait3A_63 : memref<640xf32, #tpu.memory_space<vmem_shared>>) dst(%dma_wait3A_62 : memref<640xf32, #tpu.memory_space<hbm>>)
      tpu.yield
    }) : () -> ()
    return
  }
}

#map = affine_map<(d0, d1) -> (0, 0)>
#map1 = affine_map<(d0, d1) -> (0, 0, 0)>
module attributes {stable_mosaic.version = 14 : i64} {
  func.func @_scatter(%arg0: i32, %arg1: i32, %arg2: memref<10000x128xf32, #tpu.memory_space<hbm>>, %arg3: memref<32x81x128xi32, #tpu.memory_space<hbm>>, %arg4: memref<32x81x128xi32, #tpu.memory_space<hbm>>, %arg5: memref<640x128xf32, #tpu.memory_space<hbm>>, %arg6: memref<2x10240x128xf32, #tpu.memory_space<hbm>>, %arg7: memref<81x128xi32, #tpu.memory_space<vmem>>, %arg8: memref<81x128xi32, #tpu.memory_space<vmem>>, %arg9: memref<128x128xf32, #tpu.memory_space<vmem>>, %arg10: memref<!tpu.dma_semaphore, #tpu.memory_space<semaphore_mem>>, %arg11: memref<10240x128xf32, #tpu.memory_space<vmem_shared>>) attributes {dimension_semantics = [#tpu.dimension_semantics<core_parallel>, #tpu.dimension_semantics<subcore_parallel>], iteration_bounds = array<i64: 2, 16>, scalar_prefetch = 0 : i64, scratch_operands = 5 : i64, tpu.core_type = #tpu.core_type<sc_vector_subcore>, window_params = [{transform_indices = #map}, {transform_indices = #map1}, {transform_indices = #map1}, {transform_indices = #map}, {transform_indices = #map1}]} {
    %mul3A = arith.constant 16 : i32
    %mul3A_0 = arith.muli %arg0, %mul3A : i32
    %add3A = arith.addi %mul3A_0, %arg1 : i32
    "tpu.region"() ({
      %run_scoped3A = tpu.sem_alloc : memref<!tpu.dma_semaphore, #tpu.memory_space<semaphore_mem>>
      %dma_start3A = arith.constant 0 : i32
      %dma_start3A_13 = arith.constant 0 : i32
      %dma_start3A_14 = tpu.memref_slice %arg3[%add3A, %dma_start3A, %dma_start3A_13] : memref<32x81x128xi32, #tpu.memory_space<hbm>> -> memref<1x81x128xi32, #tpu.memory_space<hbm>>
      %dma_start3A_15 = tpu.memref_squeeze %dma_start3A_14 : memref<1x81x128xi32, #tpu.memory_space<hbm>> -> memref<81x128xi32, #tpu.memory_space<hbm>>
      %dma_start3A_16 = arith.constant 0 : i32
      %dma_start3A_17 = arith.constant 0 : i32
      %dma_start3A_18 = tpu.memref_slice %arg3[%add3A, %dma_start3A_16, %dma_start3A_17] : memref<32x81x128xi32, #tpu.memory_space<hbm>> -> memref<1x81x128xi32, #tpu.memory_space<hbm>>
      %dma_start3A_19 = tpu.memref_squeeze %dma_start3A_18 : memref<1x81x128xi32, #tpu.memory_space<hbm>> -> memref<81x128xi32, #tpu.memory_space<hbm>>
      tpu.enqueue_dma source(%dma_start3A_19 : memref<81x128xi32, #tpu.memory_space<hbm>>) target(%arg7 : memref<81x128xi32, #tpu.memory_space<vmem>>) target_semaphore(%run_scoped3A : memref<!tpu.dma_semaphore, #tpu.memory_space<semaphore_mem>>)
      %dma_wait3A = arith.constant 0 : i32
      %dma_wait3A_20 = arith.constant 0 : i32
      %dma_wait3A_21 = tpu.memref_slice %arg3[%add3A, %dma_wait3A, %dma_wait3A_20] : memref<32x81x128xi32, #tpu.memory_space<hbm>> -> memref<1x81x128xi32, #tpu.memory_space<hbm>>
      %dma_wait3A_22 = tpu.memref_squeeze %dma_wait3A_21 : memref<1x81x128xi32, #tpu.memory_space<hbm>> -> memref<81x128xi32, #tpu.memory_space<hbm>>
      %dma_wait3A_23 = arith.constant 0 : i32
      %dma_wait3A_24 = arith.constant 0 : i32
      %dma_wait3A_25 = tpu.memref_slice %arg3[%add3A, %dma_wait3A_23, %dma_wait3A_24] : memref<32x81x128xi32, #tpu.memory_space<hbm>> -> memref<1x81x128xi32, #tpu.memory_space<hbm>>
      %dma_wait3A_26 = tpu.memref_squeeze %dma_wait3A_25 : memref<1x81x128xi32, #tpu.memory_space<hbm>> -> memref<81x128xi32, #tpu.memory_space<hbm>>
      tpu.wait_dma2 semaphore(%run_scoped3A : memref<!tpu.dma_semaphore, #tpu.memory_space<semaphore_mem>>) src(%dma_wait3A_26 : memref<81x128xi32, #tpu.memory_space<hbm>>) dst(%arg7 : memref<81x128xi32, #tpu.memory_space<vmem>>)
      tpu.yield
    }) : () -> ()
    "tpu.region"() ({
      %run_scoped3A = tpu.sem_alloc : memref<!tpu.dma_semaphore, #tpu.memory_space<semaphore_mem>>
      %dma_start3A = arith.constant 0 : i32
      %dma_start3A_13 = arith.constant 0 : i32
      %dma_start3A_14 = tpu.memref_slice %arg4[%add3A, %dma_start3A, %dma_start3A_13] : memref<32x81x128xi32, #tpu.memory_space<hbm>> -> memref<1x81x128xi32, #tpu.memory_space<hbm>>
      %dma_start3A_15 = tpu.memref_squeeze %dma_start3A_14 : memref<1x81x128xi32, #tpu.memory_space<hbm>> -> memref<81x128xi32, #tpu.memory_space<hbm>>
      %dma_start3A_16 = arith.constant 0 : i32
      %dma_start3A_17 = arith.constant 0 : i32
      %dma_start3A_18 = tpu.memref_slice %arg4[%add3A, %dma_start3A_16, %dma_start3A_17] : memref<32x81x128xi32, #tpu.memory_space<hbm>> -> memref<1x81x128xi32, #tpu.memory_space<hbm>>
      %dma_start3A_19 = tpu.memref_squeeze %dma_start3A_18 : memref<1x81x128xi32, #tpu.memory_space<hbm>> -> memref<81x128xi32, #tpu.memory_space<hbm>>
      tpu.enqueue_dma source(%dma_start3A_19 : memref<81x128xi32, #tpu.memory_space<hbm>>) target(%arg8 : memref<81x128xi32, #tpu.memory_space<vmem>>) target_semaphore(%run_scoped3A : memref<!tpu.dma_semaphore, #tpu.memory_space<semaphore_mem>>)
      %dma_wait3A = arith.constant 0 : i32
      %dma_wait3A_20 = arith.constant 0 : i32
      %dma_wait3A_21 = tpu.memref_slice %arg4[%add3A, %dma_wait3A, %dma_wait3A_20] : memref<32x81x128xi32, #tpu.memory_space<hbm>> -> memref<1x81x128xi32, #tpu.memory_space<hbm>>
      %dma_wait3A_22 = tpu.memref_squeeze %dma_wait3A_21 : memref<1x81x128xi32, #tpu.memory_space<hbm>> -> memref<81x128xi32, #tpu.memory_space<hbm>>
      %dma_wait3A_23 = arith.constant 0 : i32
      %dma_wait3A_24 = arith.constant 0 : i32
      %dma_wait3A_25 = tpu.memref_slice %arg4[%add3A, %dma_wait3A_23, %dma_wait3A_24] : memref<32x81x128xi32, #tpu.memory_space<hbm>> -> memref<1x81x128xi32, #tpu.memory_space<hbm>>
      %dma_wait3A_26 = tpu.memref_squeeze %dma_wait3A_25 : memref<1x81x128xi32, #tpu.memory_space<hbm>> -> memref<81x128xi32, #tpu.memory_space<hbm>>
      tpu.wait_dma2 semaphore(%run_scoped3A : memref<!tpu.dma_semaphore, #tpu.memory_space<semaphore_mem>>) src(%dma_wait3A_26 : memref<81x128xi32, #tpu.memory_space<hbm>>) dst(%arg8 : memref<81x128xi32, #tpu.memory_space<vmem>>)
      tpu.yield
    }) : () -> ()
    %mul3A_1 = arith.constant 640 : i32
    %mul3A_2 = arith.muli %arg1, %mul3A_1 : i32
    "tpu.region"() ({
      %run_scoped3A = tpu.sem_alloc : memref<!tpu.dma_semaphore, #tpu.memory_space<semaphore_mem>>
      %dma_start3A = arith.constant 0 : i32
      %dma_start3A_13 = tpu.memref_slice %arg11[%mul3A_2, %dma_start3A] : memref<10240x128xf32, #tpu.memory_space<vmem_shared>> -> memref<640x128xf32, #tpu.memory_space<vmem_shared>>
      tpu.enqueue_dma source(%arg5 : memref<640x128xf32, #tpu.memory_space<hbm>>) target(%dma_start3A_13 : memref<640x128xf32, #tpu.memory_space<vmem_shared>>) target_semaphore(%run_scoped3A : memref<!tpu.dma_semaphore, #tpu.memory_space<semaphore_mem>>)
      %dma_wait3A = arith.constant 0 : i32
      %dma_wait3A_14 = tpu.memref_slice %arg11[%mul3A_2, %dma_wait3A] : memref<10240x128xf32, #tpu.memory_space<vmem_shared>> -> memref<640x128xf32, #tpu.memory_space<vmem_shared>>
      tpu.wait_dma2 semaphore(%run_scoped3A : memref<!tpu.dma_semaphore, #tpu.memory_space<semaphore_mem>>) src(%arg5 : memref<640x128xf32, #tpu.memory_space<hbm>>) dst(%dma_wait3A_14 : memref<640x128xf32, #tpu.memory_space<vmem_shared>>)
      tpu.yield
    }) : () -> ()
    %barrier3A = arith.constant 0 : index
    tpu.barrier barrier_id(%barrier3A)
    %scan3A = arith.constant 0 : i32
    %scan3A_3 = arith.constant 0 : i32
    %scan3A_4 = arith.constant 81 : i32
    %scan3A_5 = arith.addi %scan3A_3, %scan3A_4 : i32
    %scan3A_6 = arith.constant 1 : i32
    scf.for %scan3A_13 = %scan3A_3 to %scan3A_5 step %scan3A_6  : i32 {
      %dma_start3A = arith.constant 0 : i32
      %dma_start3A_14 = tpu.memref_slice %arg7[%scan3A_13, %dma_start3A] : memref<81x128xi32, #tpu.memory_space<vmem>> -> memref<1x128xi32, #tpu.memory_space<vmem>>
      %dma_start3A_15 = tpu.memref_squeeze %dma_start3A_14 : memref<1x128xi32, #tpu.memory_space<vmem>> -> memref<128xi32, #tpu.memory_space<vmem>>
      %dma_start3A_16 = arith.constant 0 : i32
      %dma_start3A_17 = arith.constant 0 : i32
      %dma_start3A_18 = tpu.memref_slice %arg2[%dma_start3A_16, %dma_start3A_17] : memref<10000x128xf32, #tpu.memory_space<hbm>> -> memref<10000x128xf32, #tpu.memory_space<hbm>>
      tpu.enqueue_indirect_dma source(%dma_start3A_18 : memref<10000x128xf32, #tpu.memory_space<hbm>>) target(%arg9 : memref<128x128xf32, #tpu.memory_space<vmem>>) offsets(%dma_start3A_15 : memref<128xi32, #tpu.memory_space<vmem>>) semaphore(%arg10 : memref<!tpu.dma_semaphore, #tpu.memory_space<semaphore_mem>>)
      %dma_wait3A = arith.constant 0 : i32
      %dma_wait3A_19 = tpu.memref_slice %arg7[%scan3A_13, %dma_wait3A] : memref<81x128xi32, #tpu.memory_space<vmem>> -> memref<1x128xi32, #tpu.memory_space<vmem>>
      %dma_wait3A_20 = tpu.memref_squeeze %dma_wait3A_19 : memref<1x128xi32, #tpu.memory_space<vmem>> -> memref<128xi32, #tpu.memory_space<vmem>>
      %dma_wait3A_21 = arith.constant 0 : i32
      %dma_wait3A_22 = arith.constant 0 : i32
      %dma_wait3A_23 = tpu.memref_slice %arg2[%dma_wait3A_21, %dma_wait3A_22] : memref<10000x128xf32, #tpu.memory_space<hbm>> -> memref<10000x128xf32, #tpu.memory_space<hbm>>
      tpu.wait_indirect_dma semaphore(%arg10 : memref<!tpu.dma_semaphore, #tpu.memory_space<semaphore_mem>>) src(%dma_wait3A_23 : memref<10000x128xf32, #tpu.memory_space<hbm>>) dst(%arg9 : memref<128x128xf32, #tpu.memory_space<vmem>>)
      "tpu.region"() ({
        %run_scoped3A = tpu.sem_alloc : memref<!tpu.dma_semaphore, #tpu.memory_space<semaphore_mem>>
        %dma_start3A_24 = arith.constant 0 : i32
        %dma_start3A_25 = tpu.memref_slice %arg8[%scan3A_13, %dma_start3A_24] : memref<81x128xi32, #tpu.memory_space<vmem>> -> memref<1x128xi32, #tpu.memory_space<vmem>>
        %dma_start3A_26 = tpu.memref_squeeze %dma_start3A_25 : memref<1x128xi32, #tpu.memory_space<vmem>> -> memref<128xi32, #tpu.memory_space<vmem>>
        %dma_start3A_27 = arith.constant 0 : i32
        %dma_start3A_28 = arith.constant 0 : i32
        %dma_start3A_29 = tpu.memref_slice %arg11[%dma_start3A_27, %dma_start3A_28] : memref<10240x128xf32, #tpu.memory_space<vmem_shared>> -> memref<10240x128xf32, #tpu.memory_space<vmem_shared>>
        tpu.enqueue_indirect_dma source(%arg9 : memref<128x128xf32, #tpu.memory_space<vmem>>) target(%dma_start3A_29 : memref<10240x128xf32, #tpu.memory_space<vmem_shared>>) offsets(%dma_start3A_26 : memref<128xi32, #tpu.memory_space<vmem>>) semaphore(%run_scoped3A : memref<!tpu.dma_semaphore, #tpu.memory_space<semaphore_mem>>) {add = true}
        %dma_wait3A_30 = arith.constant 0 : i32
        %dma_wait3A_31 = tpu.memref_slice %arg8[%scan3A_13, %dma_wait3A_30] : memref<81x128xi32, #tpu.memory_space<vmem>> -> memref<1x128xi32, #tpu.memory_space<vmem>>
        %dma_wait3A_32 = tpu.memref_squeeze %dma_wait3A_31 : memref<1x128xi32, #tpu.memory_space<vmem>> -> memref<128xi32, #tpu.memory_space<vmem>>
        %dma_wait3A_33 = arith.constant 0 : i32
        %dma_wait3A_34 = arith.constant 0 : i32
        %dma_wait3A_35 = tpu.memref_slice %arg11[%dma_wait3A_33, %dma_wait3A_34] : memref<10240x128xf32, #tpu.memory_space<vmem_shared>> -> memref<10240x128xf32, #tpu.memory_space<vmem_shared>>
        tpu.wait_indirect_dma semaphore(%run_scoped3A : memref<!tpu.dma_semaphore, #tpu.memory_space<semaphore_mem>>) src(%arg9 : memref<128x128xf32, #tpu.memory_space<vmem>>) dst(%dma_wait3A_35 : memref<10240x128xf32, #tpu.memory_space<vmem_shared>>)
        tpu.yield
      }) : () -> ()
    }
    %scan3A_7 = arith.constant 81 : i32
    %barrier3A_8 = arith.constant 0 : index
    tpu.barrier barrier_id(%barrier3A_8)
    %mul3A_9 = arith.constant 640 : i32
    %mul3A_10 = arith.muli %arg1, %mul3A_9 : i32
    %mul3A_11 = arith.constant 640 : i32
    %mul3A_12 = arith.muli %arg1, %mul3A_11 : i32
    "tpu.region"() ({
      %run_scoped3A = tpu.sem_alloc : memref<!tpu.dma_semaphore, #tpu.memory_space<semaphore_mem>>
      %dma_start3A = arith.constant 0 : i32
      %dma_start3A_13 = tpu.memref_slice %arg6[%arg0, %mul3A_12, %dma_start3A] : memref<2x10240x128xf32, #tpu.memory_space<hbm>> -> memref<1x640x128xf32, #tpu.memory_space<hbm>>
      %dma_start3A_14 = tpu.memref_squeeze %dma_start3A_13 : memref<1x640x128xf32, #tpu.memory_space<hbm>> -> memref<640x128xf32, #tpu.memory_space<hbm>>
      %dma_start3A_15 = arith.constant 0 : i32
      %dma_start3A_16 = tpu.memref_slice %arg11[%mul3A_10, %dma_start3A_15] : memref<10240x128xf32, #tpu.memory_space<vmem_shared>> -> memref<640x128xf32, #tpu.memory_space<vmem_shared>>
      tpu.enqueue_dma source(%dma_start3A_16 : memref<640x128xf32, #tpu.memory_space<vmem_shared>>) target(%dma_start3A_14 : memref<640x128xf32, #tpu.memory_space<hbm>>) target_semaphore(%run_scoped3A : memref<!tpu.dma_semaphore, #tpu.memory_space<semaphore_mem>>)
      %dma_wait3A = arith.constant 0 : i32
      %dma_wait3A_17 = tpu.memref_slice %arg6[%arg0, %mul3A_12, %dma_wait3A] : memref<2x10240x128xf32, #tpu.memory_space<hbm>> -> memref<1x640x128xf32, #tpu.memory_space<hbm>>
      %dma_wait3A_18 = tpu.memref_squeeze %dma_wait3A_17 : memref<1x640x128xf32, #tpu.memory_space<hbm>> -> memref<640x128xf32, #tpu.memory_space<hbm>>
      %dma_wait3A_19 = arith.constant 0 : i32
      %dma_wait3A_20 = tpu.memref_slice %arg11[%mul3A_10, %dma_wait3A_19] : memref<10240x128xf32, #tpu.memory_space<vmem_shared>> -> memref<640x128xf32, #tpu.memory_space<vmem_shared>>
      tpu.wait_dma2 semaphore(%run_scoped3A : memref<!tpu.dma_semaphore, #tpu.memory_space<semaphore_mem>>) src(%dma_wait3A_20 : memref<640x128xf32, #tpu.memory_space<vmem_shared>>) dst(%dma_wait3A_18 : memref<640x128xf32, #tpu.memory_space<hbm>>)
      tpu.yield
    }) : () -> ()
    return
  }
}

module attributes {stable_mosaic.version = 14 : i64} {
  func.func @_finish_body(%arg0: i32, %arg1: memref<2x512x128xf32, #tpu.memory_space<vmem>>, %arg2: memref<2x512x1xf32, #tpu.memory_space<vmem>>, %arg3: memref<1x64xf32, #tpu.memory_space<vmem>>, %arg4: memref<1x64xf32, #tpu.memory_space<vmem>>, %arg5: memref<512x64xf32, #tpu.memory_space<vmem>>) attributes {dimension_semantics = [#tpu.dimension_semantics<arbitrary>], iteration_bounds = array<i64: 20>, scalar_prefetch = 0 : i64, scratch_operands = 0 : i64, tpu.core_type = #tpu.core_type<tc>, window_params = [{transform_indices = @transform_0, window_bounds = array<i64: 2, 512, 128>}, {transform_indices = @transform_1, window_bounds = array<i64: 2, 512, 1>}, {pipeline_mode = #tpu.pipeline_mode<synchronous>, transform_indices = @transform_2, window_bounds = array<i64: 1, 64>}, {pipeline_mode = #tpu.pipeline_mode<synchronous>, transform_indices = @transform_3, window_bounds = array<i64: 1, 64>}, {transform_indices = @transform_4, window_bounds = array<i64: 512, 64>}]} {
    %get3A = arith.constant 0 : index
    %get3A_0 = arith.constant 0 : index
    %get3A_1 = arith.constant 0 : index
    %get3A_2 = vector.load %arg1[%get3A, %get3A_0, %get3A_1] : memref<2x512x128xf32, #tpu.memory_space<vmem>>, vector<2x512x128xf32>
    %slice3A = vector.extract_strided_slice %get3A_2 {offsets = [0, 0, 0], sizes = [1, 512, 64], strides = [1, 1, 1]} : vector<2x512x128xf32> to vector<1x512x64xf32>
    %squeeze3A = vector.shape_cast %slice3A : vector<1x512x64xf32> to vector<512x64xf32>
    %slice3A_3 = vector.extract_strided_slice %get3A_2 {offsets = [1, 0, 0], sizes = [1, 512, 64], strides = [1, 1, 1]} : vector<2x512x128xf32> to vector<1x512x64xf32>
    %squeeze3A_4 = vector.shape_cast %slice3A_3 : vector<1x512x64xf32> to vector<512x64xf32>
    %add3A = arith.addf %squeeze3A, %squeeze3A_4 : vector<512x64xf32>
    %get3A_5 = arith.constant 0 : index
    %get3A_6 = arith.constant 0 : index
    %get3A_7 = arith.constant 0 : index
    %get3A_8 = vector.load %arg2[%get3A_5, %get3A_6, %get3A_7] : memref<2x512x1xf32, #tpu.memory_space<vmem>>, vector<2x512x1xf32>
    %slice3A_9 = vector.extract_strided_slice %get3A_8 {offsets = [0, 0, 0], sizes = [1, 512, 1], strides = [1, 1, 1]} : vector<2x512x1xf32> to vector<1x512x1xf32>
    %squeeze3A_10 = vector.shape_cast %slice3A_9 : vector<1x512x1xf32> to vector<512x1xf32>
    %slice3A_11 = vector.extract_strided_slice %get3A_8 {offsets = [1, 0, 0], sizes = [1, 512, 1], strides = [1, 1, 1]} : vector<2x512x1xf32> to vector<1x512x1xf32>
    %squeeze3A_12 = vector.shape_cast %slice3A_11 : vector<1x512x1xf32> to vector<512x1xf32>
    %add3A_13 = arith.addf %squeeze3A_10, %squeeze3A_12 : vector<512x1xf32>
    %add3A_14 = arith.constant 1.000000e+00 : f32
    %add3A_15 = vector.broadcast %add3A_14 : f32 to vector<512x1xf32>
    %add3A_16 = arith.addf %add3A_13, %add3A_15 : vector<512x1xf32>
    %rsqrt3A = math.rsqrt %add3A_16 : vector<512x1xf32>
    %mul3A = vector.broadcast %rsqrt3A : vector<512x1xf32> to vector<512x64xf32>
    %mul3A_17 = arith.mulf %add3A, %mul3A : vector<512x64xf32>
    %get3A_18 = arith.constant 0 : index
    %get3A_19 = arith.constant 0 : index
    %get3A_20 = vector.load %arg3[%get3A_18, %get3A_19] : memref<1x64xf32, #tpu.memory_space<vmem>>, vector<1x64xf32>
    %add3A_21 = vector.broadcast %get3A_20 : vector<1x64xf32> to vector<512x64xf32>
    %add3A_22 = arith.addf %mul3A_17, %add3A_21 : vector<512x64xf32>
    %gt3A = arith.constant 0.000000e+00 : f32
    %gt3A_23 = vector.broadcast %gt3A : f32 to vector<512x64xf32>
    %gt3A_24 = arith.cmpf ogt, %add3A_22, %gt3A_23 : vector<512x64xf32>
    %get3A_25 = arith.constant 0 : index
    %get3A_26 = arith.constant 0 : index
    %get3A_27 = vector.load %arg4[%get3A_25, %get3A_26] : memref<1x64xf32, #tpu.memory_space<vmem>>, vector<1x64xf32>
    %mul3A_28 = vector.broadcast %get3A_27 : vector<1x64xf32> to vector<512x64xf32>
    %mul3A_29 = arith.mulf %mul3A_28, %add3A_22 : vector<512x64xf32>
    %select_n3A = arith.select %gt3A_24, %add3A_22, %mul3A_29 : vector<512x64xi1>, vector<512x64xf32>
    %swap3A = arith.constant 0 : index
    %swap3A_30 = arith.constant 0 : index
    %swap3A_31 = vector.load %arg5[%swap3A, %swap3A_30] : memref<512x64xf32, #tpu.memory_space<vmem>>, vector<512x64xf32>
    tpu.vector_store %arg5[%swap3A, %swap3A_30], %select_n3A {strides = array<i32>} : memref<512x64xf32, #tpu.memory_space<vmem>>, vector<512x64xf32>,
    return
  }
  func.func @transform_0(%arg0: i32) -> (i32, i32, i32) {
    %c0_i32 = arith.constant 0 : i32
    %c0_i32_0 = arith.constant 0 : i32
    %c0_i32_1 = arith.constant 0 : i32
    return %c0_i32, %arg0, %c0_i32_0 : i32, i32, i32
  }
  func.func @transform_1(%arg0: i32) -> (i32, i32, i32) {
    %c0_i32 = arith.constant 0 : i32
    %c0_i32_0 = arith.constant 0 : i32
    %c0_i32_1 = arith.constant 0 : i32
    return %c0_i32, %arg0, %c0_i32_0 : i32, i32, i32
  }
  func.func @transform_2(%arg0: i32) -> (i32, i32) {
    %c0_i32 = arith.constant 0 : i32
    %c0_i32_0 = arith.constant 0 : i32
    %c0_i32_1 = arith.constant 0 : i32
    return %c0_i32, %c0_i32_0 : i32, i32
  }
  func.func @transform_3(%arg0: i32) -> (i32, i32) {
    %c0_i32 = arith.constant 0 : i32
    %c0_i32_0 = arith.constant 0 : i32
    %c0_i32_1 = arith.constant 0 : i32
    return %c0_i32, %c0_i32_0 : i32, i32
  }
  func.func @transform_4(%arg0: i32) -> (i32, i32) {
    %c0_i32 = arith.constant 0 : i32
    %c0_i32_0 = arith.constant 0 : i32
    return %arg0, %c0_i32 : i32, i32
  }
}

module attributes {stable_mosaic.version = 14 : i64} {
  func.func @_dense_body(%arg0: i32, %arg1: memref<512x128xf32, #tpu.memory_space<vmem>>, %arg2: memref<128x64xf32, #tpu.memory_space<vmem>>, %arg3: memref<2x512x1xf32, #tpu.memory_space<vmem>>, %arg4: memref<512x128xf32, #tpu.memory_space<vmem>>) attributes {dimension_semantics = [#tpu.dimension_semantics<arbitrary>], iteration_bounds = array<i64: 20>, scalar_prefetch = 0 : i64, scratch_operands = 0 : i64, tpu.core_type = #tpu.core_type<tc>, window_params = [{transform_indices = @transform_0, window_bounds = array<i64: 512, 128>}, {pipeline_mode = #tpu.pipeline_mode<synchronous>, transform_indices = @transform_1, window_bounds = array<i64: 128, 64>}, {transform_indices = @transform_2, window_bounds = array<i64: 2, 512, 1>}, {transform_indices = @transform_3, window_bounds = array<i64: 512, 128>}]} {
    %get3A = arith.constant 0 : index
    %get3A_0 = arith.constant 0 : index
    %get3A_1 = vector.load %arg1[%get3A, %get3A_0] : memref<512x128xf32, #tpu.memory_space<vmem>>, vector<512x128xf32>
    %get3A_2 = arith.constant 0 : index
    %get3A_3 = arith.constant 0 : index
    %get3A_4 = vector.load %arg2[%get3A_2, %get3A_3] : memref<128x64xf32, #tpu.memory_space<vmem>>, vector<128x64xf32>
    %dot_general3A = arith.constant dense<0.000000e+00> : vector<512x64xf32>
    %dot_general3A_5 = tpu.matmul %get3A_1, %get3A_4, %dot_general3A {dimension_numbers = #tpu.dot_dimension_numbers<[1], [0], [0], [1], [0, 0, 1, 1], [], []>, transpose_lhs_hint = false} : vector<512x128xf32>, vector<128x64xf32>, vector<512x64xf32> -> vector<512x64xf32>
    %get3A_6 = arith.constant 0 : index
    %get3A_7 = arith.constant 0 : index
    %get3A_8 = arith.constant 0 : index
    %get3A_9 = vector.load %arg3[%get3A_6, %get3A_7, %get3A_8] : memref<2x512x1xf32, #tpu.memory_space<vmem>>, vector<2x512x1xf32>
    %slice3A = vector.extract_strided_slice %get3A_9 {offsets = [0, 0, 0], sizes = [1, 512, 1], strides = [1, 1, 1]} : vector<2x512x1xf32> to vector<1x512x1xf32>
    %squeeze3A = vector.shape_cast %slice3A : vector<1x512x1xf32> to vector<512x1xf32>
    %slice3A_10 = vector.extract_strided_slice %get3A_9 {offsets = [1, 0, 0], sizes = [1, 512, 1], strides = [1, 1, 1]} : vector<2x512x1xf32> to vector<1x512x1xf32>
    %squeeze3A_11 = vector.shape_cast %slice3A_10 : vector<1x512x1xf32> to vector<512x1xf32>
    %add3A = arith.addf %squeeze3A, %squeeze3A_11 : vector<512x1xf32>
    %add3A_12 = arith.constant 1.000000e+00 : f32
    %add3A_13 = vector.broadcast %add3A_12 : f32 to vector<512x1xf32>
    %add3A_14 = arith.addf %add3A, %add3A_13 : vector<512x1xf32>
    %rsqrt3A = math.rsqrt %add3A_14 : vector<512x1xf32>
    %mul3A = vector.broadcast %rsqrt3A : vector<512x1xf32> to vector<512x64xf32>
    %mul3A_15 = arith.mulf %dot_general3A_5, %mul3A : vector<512x64xf32>
    %broadcast_in_dim3A = arith.constant 0.000000e+00 : f32
    %broadcast_in_dim3A_16 = vector.broadcast %broadcast_in_dim3A : f32 to vector<512x64xf32>
    %concatenate3A = tpu.concatenate %mul3A_15, %broadcast_in_dim3A_16 in 1 : vector<512x64xf32>, vector<512x64xf32> -> vector<512x128xf32>
    %swap3A = arith.constant 0 : index
    %swap3A_17 = arith.constant 0 : index
    %swap3A_18 = vector.load %arg4[%swap3A, %swap3A_17] : memref<512x128xf32, #tpu.memory_space<vmem>>, vector<512x128xf32>
    tpu.vector_store %arg4[%swap3A, %swap3A_17], %concatenate3A {strides = array<i32>} : memref<512x128xf32, #tpu.memory_space<vmem>>, vector<512x128xf32>,
    return
  }
  func.func @transform_0(%arg0: i32) -> (i32, i32) {
    %c0_i32 = arith.constant 0 : i32
    %c0_i32_0 = arith.constant 0 : i32
    return %arg0, %c0_i32 : i32, i32
  }
  func.func @transform_1(%arg0: i32) -> (i32, i32) {
    %c0_i32 = arith.constant 0 : i32
    %c0_i32_0 = arith.constant 0 : i32
    %c0_i32_1 = arith.constant 0 : i32
    return %c0_i32, %c0_i32_0 : i32, i32
  }
  func.func @transform_2(%arg0: i32) -> (i32, i32, i32) {
    %c0_i32 = arith.constant 0 : i32
    %c0_i32_0 = arith.constant 0 : i32
    %c0_i32_1 = arith.constant 0 : i32
    return %c0_i32, %arg0, %c0_i32_0 : i32, i32, i32
  }
  func.func @transform_3(%arg0: i32) -> (i32, i32) {
    %c0_i32 = arith.constant 0 : i32
    %c0_i32_0 = arith.constant 0 : i32
    return %arg0, %c0_i32 : i32, i32
  }
}

</mosaic_0001>

<sc_bundles>
// kernel: kernel.6.cloned.1.call-start
scs
__scs_entry_jumppad:
0x0: {  	(pc) =	sbr.rel $0x88, $3  }
0x1: {  	(tag) =	ssettag $0x0;
	lr =	simm.s32 $0x1  }
0x2: {  	[smem:$0x3F9C] =	sst lr;
	_ =	strace $0xD0000000  }
0x3: {  	_ = 	snop  }
0x4: {  	_ = 	snop  }
0x5: {  	_ = 	snop  }
0x6: {  	_ = 	snop  }
0x7: {  	_ = 	snop  }
__scs_overlays_trampoline_lowered:
0x8: {  	[smem:$0x3FAB] =	sst s0  }
0x9: {  	[smem:$0x3FAC] =	sst s1  }
0xa: {  	[smem:$0x3FAD] =	sst s2  }
0xb: {  	[smem:$0x3FAE] =	sst s3  }
0xc: {  	[smem:$0x3FAF] =	sst s4  }
0xd: {  	[smem:$0x3FB0] =	sst s5  }
0xe: {  	[smem:$0x3FB1] =	sst s6  }
0xf: {  	[smem:$0x3FB2] =	sst s7  }
0x10: {  	[smem:$0x3FB3] =	sst s8  }
0x11: {  	[smem:$0x3FB4] =	sst s9;
	s0 =	simm.s32 @!p0 $0x0  }
0x12: {  	s1 =	sld [smem:$0x3F9A];
	s0 =	simm.s32 @p0 $0x1  }
0x13: {  	[smem:$0x3FB5] =	sst s0;
	s0 =	simm.s32 @!p1 $0x0  }
0x14: {  	s2 =	sld [smem:$0x3F99];
	s0 =	simm.s32 @p1 $0x1  }
0x15: {  	[smem:$0x3FB6] =	sst s0;
	s0 =	simm.s32 @!p2 $0x0  }
0x16: {  	s3 =	sld [smem:$0x3FDB];
	s0 =	simm.s32 @p2 $0x1  }
0x17: {  	s4 =	simm.s32 $0x1BF5;
	[smem:$0x3FB8] =	sst s0  }
0x18: {  	s0 =	sld [smem:$0x3F9B];
	_ =	swait.ge [sflag:s4], $0x0  }
0x19: {  	s7 =	sld [smem:$0x3F9C]  }
0x1a: {  	s8 =	sadd.s32 $0xFFFFE003, lr  }
0x1b: {  	s9 =	sadd.s32 $0xFFFFFEF7, lr;
	s5 =	simm.s32 $0xFFFFFFFF;
	p2 =	slt.u32 s8, $0xFFFFF086  }
0x1c: {  	p1 =	slt.u32 s9, $0xF7A;
	s5 =	simm.s32 @!p2 $0x0  }
0x1d: {  	s5 =	simm.s32 @p1 $0x1;
	p0 =	seq.s32 s7, s2  }
0x1e: {  	s7 =	smul.u32 @!p0 $0xF7A, s2;
	p2 =	seq.s32 @!p0 s5, $0x0  }
0x1f: {  	s9 =	smul.u32 $0xF7A, s1;
	s8 =	simm.s32 @!p0 $0x1BF5;
	p2 =	por !p2, p0  }
0x20: {  	[sflag:s8] =	ssyncset.s32 @!p0 $0xFFFFF086;
	s6 =	sadd.s32 @!p0 s3, s7;
	s7 =	simm.s32 @!p0 $0x108  }
0x21: {  	s3 =	sadd.s32 s3, s9;
	s6 =	sadd.s32 @!p0 $0x88, s6;
	s7 =	simm.s32 @p2 $0x1082  }
0x22: {  	[simem:s7], [sflag:s8] =	dma.local @!p0 [hbm:s6], $0xF7A  }
0x23: {  	s9 =	sor.u32 $0xD0000000, s2;
	s6 =	simm.s32 $0x108;
	_ =	swait.ge @!p0 [sflag:s8], $0x0  }
0x24: {  	s3 =	sadd.s32 $0x88, s3;
	s6 =	simm.s32 @!p1 $0x1082;
	[sflag:s4] =	ssyncset.s32 $0xFFFFF086  }
0x25: {  	[simem:s6], [sflag:s4] =	dma.local [hbm:s3], $0xF7A  }
0x26: {  	[smem:$0x3F9C] =	sst s1;
	(tag) =	ssettag s2;
	_ =	strace s9  }
0x27: {  	s1 =	sld [smem:$0x3FAC]  }
0x28: {  	s2 =	sld [smem:$0x3FAD]  }
0x29: {  	s4 =	sld [smem:$0x3FAF]  }
0x2a: {  	p0 =	seq.s32 s5, $0x0;
	s5 =	sld [smem:$0x3FB0]  }
0x2b: {  	s6 =	sld [smem:$0x3FB1]  }
0x2c: {  	s7 =	sld [smem:$0x3FB2]  }
0x2d: {  	s3 =	simm.s32 $0x108;
	s8 =	sld [smem:$0x3FB3]  }
0x2e: {  	s3 =	simm.s32 @!p0 $0x1082;
	s9 =	sld [smem:$0x3FB4]  }
0x2f: {  	lr =	sadd.s32 s0, s3;
	s0 =	sld [smem:$0x3FAB]  }
0x30: {  	s3 =	sld [smem:$0x3FAE]  }
0x31: {  	[smem:$0x3FB7] =	sst s10  }
0x32: {  	s10 =	sld [smem:$0x3FB5];
	_ =	sdelay $0x3  }
0x33: {  	p0 =	seq.s32 s10, $0x1;
	s10 =	sld [smem:$0x3FB7];
	_ =	sdelay $0x3  }
0x34: {  	[smem:$0x3FB7] =	sst s10  }
0x35: {  	s10 =	sld [smem:$0x3FB6];
	_ =	sdelay $0x3  }
0x36: {  	p1 =	seq.s32 s10, $0x1;
	s10 =	sld [smem:$0x3FB7];
	_ =	sdelay $0x3  }
0x37: {  	[smem:$0x3FB7] =	sst s10  }
0x38: {  	s10 =	sld [smem:$0x3FB8]  }
0x39: {  	_ = 	snop;
	(pc) =	sbr.ind lr, $3  }
0x3a: {  	_ = 	snop  }
0x3b: {  	_ = 	snop  }
0x3c: {  	p2 =	seq.s32 s10, $0x1;
	s10 =	sld [smem:$0x3FB7]  }
0x3d: {  	_ =	shalt  }
0x3e: {  	_ =	shalt  }
0x3f: {  	_ =	shalt  }
0x40: {  	_ =	shalt  }
0x41: {  	_ =	shalt  }
0x42: {  	_ =	shalt  }
0x43: {  	_ =	shalt  }
0x44: {  	_ =	shalt  }
0x45: {  	_ =	shalt  }
0x46: {  	_ =	shalt  }
0x47: {  	_ =	shalt  }
0x48: {  	_ =	shalt  }
0x49: {  	_ =	shalt  }
0x4a: {  	_ =	shalt  }
0x4b: {  	_ =	shalt  }
0x4c: {  	_ =	shalt  }
0x4d: {  	_ =	shalt  }
0x4e: {  	_ =	shalt  }
0x4f: {  	_ =	shalt  }
0x50: {  	_ =	shalt  }
0x51: {  	_ =	shalt  }
0x52: {  	_ =	shalt  }
0x53: {  	_ =	shalt  }
0x54: {  	_ =	shalt  }
0x55: {  	_ =	shalt  }
0x56: {  	_ =	shalt  }
0x57: {  	_ =	shalt  }
0x58: {  	_ =	shalt  }
0x59: {  	_ =	shalt  }
0x5a: {  	_ =	shalt  }
0x5b: {  	_ =	shalt  }
0x5c: {  	_ =	shalt  }
0x5d: {  	_ =	shalt  }
0x5e: {  	_ =	shalt  }
0x5f: {  	_ =	shalt  }
0x60: {  	_ =	shalt  }
0x61: {  	_ =	shalt  }
0x62: {  	_ =	shalt  }
0x63: {  	_ =	shalt  }
0x64: {  	_ =	shalt  }
0x65: {  	_ =	shalt  }
0x66: {  	_ =	shalt  }
0x67: {  	_ =	shalt  }
0x68: {  	_ =	shalt  }
0x69: {  	_ =	shalt  }
0x6a: {  	_ =	shalt  }
0x6b: {  	_ =	shalt  }
0x6c: {  	_ =	shalt  }
0x6d: {  	_ =	shalt  }
0x6e: {  	_ =	shalt  }
0x6f: {  	_ =	shalt  }
0x70: {  	_ =	shalt  }
0x71: {  	_ =	shalt  }
0x72: {  	_ =	shalt  }
0x73: {  	_ =	shalt  }
0x74: {  	_ =	shalt  }
0x75: {  	_ =	shalt  }
0x76: {  	_ =	shalt  }
0x77: {  	_ =	shalt  }
0x78: {  	_ =	shalt  }
0x79: {  	_ =	shalt  }
0x7a: {  	_ =	shalt  }
0x7b: {  	_ =	shalt  }
0x7c: {  	_ =	shalt  }
0x7d: {  	_ =	shalt  }
0x7e: {  	_ =	shalt  }
0x7f: {  	_ =	shalt  }
0x80: {  	_ =	shalt  }
0x81: {  	_ =	shalt  }
0x82: {  	_ =	shalt  }
0x83: {  	_ =	shalt  }
0x84: {  	_ =	shalt  }
0x85: {  	_ =	shalt  }
0x86: {  	_ =	shalt  }
0x87: {  	_ =	shalt  }
.Lfunc_end0:
.L_simem_size_0:
called_computation_lowered:
.L_overlay_start_0:
0x88: {  	s2 =	sld [smem:$0x3FD9]  }
0x89: {  	s3 =	sld [smem:$0x3FFE];
	_ =	sdelay $0x1  }
0x8a: {  	s1 =	srdreg.scid  }
0x8b: {  	s0 =	sand.u32 $0x1, s1  }
0x8c: {  	s16 =	sshll.u32 s0, $0xA;
	s2 =	sadd.s32 s3, s2  }
0x8d: {  	s2 =	sadd.s32 s2, s16  }
0x8e: {  	[smem:$0x3FC3] =	sst s2  }
0x8f: {  	_ = 	snop  }
0x90: {  	(tm) =	ssettm $0x1  }
0x91: {  	s17 =	sld [smem:$0x3FFB];
	_ =	sdelay $0x3  }
0x92: {  	_ =	strace s17  }
0x93: {  	s2 =	sld [smem:$0x3FFC];
	_ =	sdelay $0x3  }
0x94: {  	_ =	strace s2  }
0x95: {  	s2 =	sld [smem:$0x3FFD];
	_ =	sdelay $0x3  }
0x96: {  	_ =	strace s2  }
0x97: {  	_ =	strace $0x8FFFFFFF  }
0x98: {  	s18 =	sld [smem:$0x3FDB];
	_ =	sdelay $0x1  }
0x99: {  	s19 =	simm.s32 $_scs_section_size  }
0x9a: {  	s4 =	simm.s32 $_size__tile_overlayer_lowered;
	s5 =	simm.s32 $_tile_overlayer_lowered  }
0x9b: {  	s22 =	simm.s32 $0x1BFF;
	s21 =	sshll.u32 s5, $0x1;
	s2 =	sadd.s32 s19, s18  }
0x9c: {  	s6 =	simm.s32 $0x0;
	s20 =	sshll.u32 s4, $0x1;
	s4 =	sadd.s32 s21, s2  }
0x9d: {  	[timem:s6], [sflag:s22] =	dma.local [hbm:s4], s20  }
0x9e: {  	_ =	swait.ge [sflag:s22], s20  }
0x9f: {  	s3 =	ssub.s32 $0x0, s20;
	[sflag:s22] =	ssyncset.done $0x0  }
0xa0: {  	[sflag:s22] =	ssyncadd.s32 s3;
	_ =	sdelay $0x1  }
0xa1: {  	s23 =	simm.s32 $0x1B8B  }
0xa2: {  	_ =	swait.ge [sflag:s23], $0x1  }
0xa3: {  	[sflag:s23] =	ssyncset.done $0x0  }
0xa4: {  	s25 =	simm.s32 $0x1B8E;
	s24 =	sld [smem:$0x3FFE];
	[sflag:s23] =	ssyncadd.s32 $0xFFFFFFFF  }
0xa5: {  	s26 =	simm.s32 $execute0_lowered;
	[smem:$0x3FD2] =	sst s25  }
0xa6: {  	s4 =	sshll.u32 s26, $0x1;
	_ =	strace $0x80000046;
	[dreg:$0x1] =	wrdreg $0xFFFFFFFF  }
0xa7: {  	s28 =	simm.s32 $_size_execute0_lowered;
	s2 =	sadd.s32 s2, s4;
	[dreg:$0x0] =	wrdreg $0x0  }
0xa8: {  	s4 =	sshll.u32 s28, $0x1;
	[dreg:$0x2] =	wrdreg s2  }
0xa9: {  	[dreg:$0x3] =	wrdreg s4  }
0xaa: {  	[dreg:$0x4] =	wrdreg $0xC0  }
0xab: {  	_ =	task [dreg:s6], $0x5FFFF  }
0xac: {  	[dreg:$0x1] =	wrdreg $0xFFFFFFFF  }
0xad: {  	[dreg:$0x0] =	wrdreg $0x60  }
0xae: {  	[dreg:$0x2] =	wrdreg s24  }
0xaf: {  	[dreg:$0x3] =	wrdreg $0x28800  }
0xb0: {  	[dreg:$0x4] =	wrdreg $0x9  }
0xb1: {  	_ =	task.clear_ibuf [dreg:s6], $0x5FFFF;
	_ =	strace $0x90000046  }
0xb2: {  	s29 =	simm.s32 $0x9;
	_ =	strace $0x80000048  }
0xb3: {  	_ =	swait.ge [sflag:s29], $0x1  }
0xb4: {  	[sflag:s29] =	ssyncadd.s32 $0xFFFFFFFF  }
0xb5: {  	_ =	strace $0x90000048  }
0xb6: {  	_ =	sfence  }
0xb7: {  	s30 =	sld [smem:$0x0];
	_ =	sdelay $0x2  }
0xb8: {  	s31 =	sshll.u32 s1, $0xD;
	s1 =	sshrl.u32 s1, $0x2  }
0xb9: {  	s3 =	sand.u32 $0x4000, s31;
	s1 =	sadd.s32 s1, s30  }
0xba: {  	s0 =	sor.u32 s3, s0;
	s1 =	sshll.u32 s1, $0x11  }
0xbb: {  	s0 =	sor.u32 s1, s0  }
0xbc: {  	s0 =	sadd.s32 $0x8F2B, s0  }
0xbd: {  	[sflag:s0] =	ssyncadd.remote.s32 $0x1  }
0xbe: {  	_ =	sfence.sel $0xFFFF  }
0xbf: {  	[dreg:$0x0] =	wrdreg $0xFFFFFFFF;
	(pc) =	sbr.abs _section_cstart, $3  }
0xc0: {  	[dreg:$0x1] =	wrdreg $0xFFFFFFFF  }
0xc1: {  	_ =	task.clear_ibuf [dreg:s6], $0x2FFFF;
	_ =	strace $0x9FFFFFFF  }
0xc2: {  	(tm) =	ssettm $0x7FFFFFFF  }
0xc3: {  	_ =	shalt  }
tec
execute0_lowered:
.L_overlay_start_1:
0x0: {  	(tag) =	ssettag $0x1  }
0x1: {  	s0 =	srdreg.scid;
	s5 =	rddreg [dreg:$0x0]  }
0x2: {  	s2 =	rddreg [dreg:$0x1];
	s4 =	sand.u32 $0x1, s0;
	s0 =	stileid.u32  }
0x3: {  	s3 =	simm.s32 $0x0;
	s12 =	simm.s32 $0x0;
	s7 =	smul.u32 $0x280, s0  }
0x4: {  	[smem:$0x7FF] =	sst s3;
	s1 =	sshll.u32 s4, $0x4;
	s8 =	smul.u32 $0x2800, s4  }
0x5: {  	s9 =	ssub.s32 $0x2, s4;
	s4 =	sadd.s32 $0xAE00, s5;
	s1 =	sor.u32 s0, s1  }
0x6: {  	s31 =	sshll.u32 s0, $0x6;
	s10 =	sshrl.u32 s9, $0x1;
	s6 =	smul.u32 $0x500, s1  }
0x7: {  	s1 =	rddreg [dreg:$0x2];
	_ =	strace $0x80000047;
	s8 =	sadd.s32 s7, s8  }
0x8: {  	s9 =	ssub.s32 s9, s10;
	s11 =	sadd.s32 s7, s2;
	s10 =	sor.u32 $0x1C01, s31  }
0x9: {  	s8 =	sshrl.u32 s8, $0x3;
	s7 =	smax.u32 s9, $0x1;
	s9 =	simm.s32 $0x1  }
0xa: {  	s11 =	sshrl.u32 s11, $0x3;
	s6 =	sadd.s32 s6, s5;
	s8 =	sadd.s32 s8, s5  }
0xb: {  	v0 =	vimm.f32 $1.000000000e+00;
	s5 =	sadd.s32 $0xE00, s6;
	s6 =	sadd.s32 $0xB000, s8;
	s8 =	simm.s32 $0x80  }
.LBB2_1:
0xc: {  	[tilespmem:$0x0] =	vst v0  }
0xd: {  	[tilespmem:$0x10] =	vst v0  }
0xe: {  	[tilespmem:$0x20] =	vst v0  }
0xf: {  	[tilespmem:$0x30] =	vst v0  }
0x10: {  	[tilespmem:$0x40] =	vst v0  }
0x11: {  	[tilespmem:$0x50] =	vst v0  }
0x12: {  	[tilespmem:$0x60] =	vst v0  }
0x13: {  	[tilespmem:$0x70] =	vst v0  }
0x14: {  	[tilespmem:s8], [sflag:$0x1] =	stream.linear.gather [hbm4b:s5+s3], $0x2780, $0x38;
	[tilespmem:$0x2B00] =	vst v63  }
0x15: {  	_ =	swait.ge [sflag:s9], $0x2780  }
0x16: {  	[sflag:s9] =	ssyncset.done $0x0  }
0x17: {  	[sflag:s9] =	ssyncadd.s32 $0xFFFFD880  }
0x18: {  	[spmem:s11], [sflag:s10] =	dma.local [hbm:s4], $0x50  }
0x19: {  	_ =	swait.ge [sflag:s9], $0x50  }
0x1a: {  	[sflag:s9] =	ssyncset.done $0x0  }
0x1b: {  	[sflag:s9] =	ssyncadd.s32 $0xFFFFFFB0  }
0x1c: {  	s13 =	simm.s32 $0x80;
	[bflag:$0x0] =	sbarrier.arrive $0xFFFF  }
0x1d: {  	[spmem:s2] =	stream.indirect.scatter.add.f32 [tilespmem:s3], [sflag:$0x1], $0x1, s13, s8, $0xb8;
	[tilespmem:$0x2B00] =	vst v63  }
0x1e: {  	s13 =	simm.s32 $0x200;
	_ =	swait.ge [sflag:s9], $0x80  }
.LBB2_2:
0x1f: {  	s14 =	sshra.s32 s13, $0x2;
	[sflag:s9] =	ssyncset.done $0x0;
	p0 =	sne.s32 s13, $0x9C00  }
.Ltmp0:
0x20: {  	s14 =	sadd.s32 $0x80, s14;
	[sflag:s9] =	ssyncadd.s32 $0xFFFFFF80;
	(pc) =	sbr.rel @p0 .LBB2_2-.Ltmp0, $3  }
0x21: {  	[spmem:s2] =	stream.indirect.scatter.add.f32 [tilespmem:s3], [sflag:$0x1], $0x1, s14, s8, $0xb8;
	[tilespmem:$0x2B00] =	vst v63  }
0x22: {  	s13 =	sadd.s32 $0x200, s13;
	_ =	sdelay $0x1  }
0x23: {  	_ =	swait.ge [sflag:s9], $0x80  }
0x24: {  	[sflag:s9] =	ssyncset.done $0x0;
	s12 =	sadd.s32 $0x1, s12  }
0x25: {  	[sflag:s9] =	ssyncadd.s32 $0xFFFFFF80;
	p0 =	sne.s32 s12, s7  }
.Ltmp1:
0x26: {  	[bflag:$0x0] =	sbarrier.arrive $0xFFFF;
	(pc) =	sbr.rel @p0 .LBB2_1-.Ltmp1, $4  }
0x27: {  	[hbm:s6], [sflag:s10] =	dma.local [spmem:s11], $0x50  }
0x28: {  	_ =	swait.ge [sflag:s9], $0x50  }
0x29: {  	[sflag:s9] =	ssyncset.done $0x0  }
0x2a: {  	[sflag:s9] =	ssyncadd.s32 $0xFFFFFFB0  }
0x2b: {  	_ =	sfence.sel $0x180000  }
0x2c: {  	[bflag:$0x0] =	sbarrier.arrive $0xFFFF  }
0x2d: {  	p0 =	sne.s32 s0, $0x0;
	_ =	strace $0x90000047  }
0x2e: {  	s0 =	sadd.s32 @!p0 $0x100000, s1;
	[bflag:$0x2] =	sbarrier.arrive $0xFFFF  }
0x2f: {  	[sflag:s0] =	ssyncadd.tile.s32 @!p0 $0x1;
	_ =	shalt  }
.Lfunc_end2:
_tile_overlayer_lowered:
.L_overlay_start_2:
0x30: {  	(tag) =	ssettag $0x2  }
0x31: {  	s0 =	rddreg [dreg:$0x0];
	s2 =	stileid.u32  }
0x32: {  	s1 =	rddreg [dreg:$0x1];
	p0 =	sne.s32 s2, $0x0  }
0x33: {  	s3 =	rddreg [dreg:$0x2];
	[bflag:$0x3] =	sbarrier.arrive $0xFFFF;
	s2 =	simm.s32 @!p0 $0x1C01  }
0x34: {  	[timem:s3], [sflag:s2] =	dma.local @!p0 [hbm:s0], s1  }
0x35: {  	s0 =	simm.s32 @!p0 $0x1  }
0x36: {  	_ =	swait.ge @!p0 [sflag:s0], s1  }
0x37: {  	s1 =	ssub.s32 @!p0 $0x0, s1;
	[sflag:s0] =	ssyncset.done @!p0 $0x0  }
0x38: {  	[sflag:s0] =	ssyncadd.s32 @!p0 s1  }
0x39: {  	[bflag:$0x3] =	sbarrier.arrive $0xFFFF  }
0x3a: {  	_ =	shalt  }

// kernel: kernel.9.cloned.1.call-start
scs
__scs_entry_jumppad:
0x0: {  	(pc) =	sbr.rel $0x88, $3  }
0x1: {  	(tag) =	ssettag $0x0;
	lr =	simm.s32 $0x1  }
0x2: {  	[smem:$0x3F9C] =	sst lr;
	_ =	strace $0xD0000000  }
0x3: {  	_ = 	snop  }
0x4: {  	_ = 	snop  }
0x5: {  	_ = 	snop  }
0x6: {  	_ = 	snop  }
0x7: {  	_ = 	snop  }
__scs_overlays_trampoline_lowered:
0x8: {  	[smem:$0x3FAB] =	sst s0  }
0x9: {  	[smem:$0x3FAC] =	sst s1  }
0xa: {  	[smem:$0x3FAD] =	sst s2  }
0xb: {  	[smem:$0x3FAE] =	sst s3  }
0xc: {  	[smem:$0x3FAF] =	sst s4  }
0xd: {  	[smem:$0x3FB0] =	sst s5  }
0xe: {  	[smem:$0x3FB1] =	sst s6  }
0xf: {  	[smem:$0x3FB2] =	sst s7  }
0x10: {  	[smem:$0x3FB3] =	sst s8  }
0x11: {  	[smem:$0x3FB4] =	sst s9;
	s0 =	simm.s32 @!p0 $0x0  }
0x12: {  	s1 =	sld [smem:$0x3F9A];
	s0 =	simm.s32 @p0 $0x1  }
0x13: {  	[smem:$0x3FB5] =	sst s0;
	s0 =	simm.s32 @!p1 $0x0  }
0x14: {  	s2 =	sld [smem:$0x3F99];
	s0 =	simm.s32 @p1 $0x1  }
0x15: {  	[smem:$0x3FB6] =	sst s0;
	s0 =	simm.s32 @!p2 $0x0  }
0x16: {  	s3 =	sld [smem:$0x3FDB];
	s0 =	simm.s32 @p2 $0x1  }
0x17: {  	s4 =	simm.s32 $0x1BF5;
	[smem:$0x3FB8] =	sst s0  }
0x18: {  	s0 =	sld [smem:$0x3F9B];
	_ =	swait.ge [sflag:s4], $0x0  }
0x19: {  	s7 =	sld [smem:$0x3F9C]  }
0x1a: {  	s8 =	sadd.s32 $0xFFFFE003, lr  }
0x1b: {  	s9 =	sadd.s32 $0xFFFFFEF7, lr;
	s5 =	simm.s32 $0xFFFFFFFF;
	p2 =	slt.u32 s8, $0xFFFFF086  }
0x1c: {  	p1 =	slt.u32 s9, $0xF7A;
	s5 =	simm.s32 @!p2 $0x0  }
0x1d: {  	s5 =	simm.s32 @p1 $0x1;
	p0 =	seq.s32 s7, s2  }
0x1e: {  	s7 =	smul.u32 @!p0 $0xF7A, s2;
	p2 =	seq.s32 @!p0 s5, $0x0  }
0x1f: {  	s9 =	smul.u32 $0xF7A, s1;
	s8 =	simm.s32 @!p0 $0x1BF5;
	p2 =	por !p2, p0  }
0x20: {  	[sflag:s8] =	ssyncset.s32 @!p0 $0xFFFFF086;
	s6 =	sadd.s32 @!p0 s3, s7;
	s7 =	simm.s32 @!p0 $0x108  }
0x21: {  	s3 =	sadd.s32 s3, s9;
	s6 =	sadd.s32 @!p0 $0x88, s6;
	s7 =	simm.s32 @p2 $0x1082  }
0x22: {  	[simem:s7], [sflag:s8] =	dma.local @!p0 [hbm:s6], $0xF7A  }
0x23: {  	s9 =	sor.u32 $0xD0000000, s2;
	s6 =	simm.s32 $0x108;
	_ =	swait.ge @!p0 [sflag:s8], $0x0  }
0x24: {  	s3 =	sadd.s32 $0x88, s3;
	s6 =	simm.s32 @!p1 $0x1082;
	[sflag:s4] =	ssyncset.s32 $0xFFFFF086  }
0x25: {  	[simem:s6], [sflag:s4] =	dma.local [hbm:s3], $0xF7A  }
0x26: {  	[smem:$0x3F9C] =	sst s1;
	(tag) =	ssettag s2;
	_ =	strace s9  }
0x27: {  	s1 =	sld [smem:$0x3FAC]  }
0x28: {  	s2 =	sld [smem:$0x3FAD]  }
0x29: {  	s4 =	sld [smem:$0x3FAF]  }
0x2a: {  	p0 =	seq.s32 s5, $0x0;
	s5 =	sld [smem:$0x3FB0]  }
0x2b: {  	s6 =	sld [smem:$0x3FB1]  }
0x2c: {  	s7 =	sld [smem:$0x3FB2]  }
0x2d: {  	s3 =	simm.s32 $0x108;
	s8 =	sld [smem:$0x3FB3]  }
0x2e: {  	s3 =	simm.s32 @!p0 $0x1082;
	s9 =	sld [smem:$0x3FB4]  }
0x2f: {  	lr =	sadd.s32 s0, s3;
	s0 =	sld [smem:$0x3FAB]  }
0x30: {  	s3 =	sld [smem:$0x3FAE]  }
0x31: {  	[smem:$0x3FB7] =	sst s10  }
0x32: {  	s10 =	sld [smem:$0x3FB5];
	_ =	sdelay $0x3  }
0x33: {  	p0 =	seq.s32 s10, $0x1;
	s10 =	sld [smem:$0x3FB7];
	_ =	sdelay $0x3  }
0x34: {  	[smem:$0x3FB7] =	sst s10  }
0x35: {  	s10 =	sld [smem:$0x3FB6];
	_ =	sdelay $0x3  }
0x36: {  	p1 =	seq.s32 s10, $0x1;
	s10 =	sld [smem:$0x3FB7];
	_ =	sdelay $0x3  }
0x37: {  	[smem:$0x3FB7] =	sst s10  }
0x38: {  	s10 =	sld [smem:$0x3FB8]  }
0x39: {  	_ = 	snop;
	(pc) =	sbr.ind lr, $3  }
0x3a: {  	_ = 	snop  }
0x3b: {  	_ = 	snop  }
0x3c: {  	p2 =	seq.s32 s10, $0x1;
	s10 =	sld [smem:$0x3FB7]  }
0x3d: {  	_ =	shalt  }
0x3e: {  	_ =	shalt  }
0x3f: {  	_ =	shalt  }
0x40: {  	_ =	shalt  }
0x41: {  	_ =	shalt  }
0x42: {  	_ =	shalt  }
0x43: {  	_ =	shalt  }
0x44: {  	_ =	shalt  }
0x45: {  	_ =	shalt  }
0x46: {  	_ =	shalt  }
0x47: {  	_ =	shalt  }
0x48: {  	_ =	shalt  }
0x49: {  	_ =	shalt  }
0x4a: {  	_ =	shalt  }
0x4b: {  	_ =	shalt  }
0x4c: {  	_ =	shalt  }
0x4d: {  	_ =	shalt  }
0x4e: {  	_ =	shalt  }
0x4f: {  	_ =	shalt  }
0x50: {  	_ =	shalt  }
0x51: {  	_ =	shalt  }
0x52: {  	_ =	shalt  }
0x53: {  	_ =	shalt  }
0x54: {  	_ =	shalt  }
0x55: {  	_ =	shalt  }
0x56: {  	_ =	shalt  }
0x57: {  	_ =	shalt  }
0x58: {  	_ =	shalt  }
0x59: {  	_ =	shalt  }
0x5a: {  	_ =	shalt  }
0x5b: {  	_ =	shalt  }
0x5c: {  	_ =	shalt  }
0x5d: {  	_ =	shalt  }
0x5e: {  	_ =	shalt  }
0x5f: {  	_ =	shalt  }
0x60: {  	_ =	shalt  }
0x61: {  	_ =	shalt  }
0x62: {  	_ =	shalt  }
0x63: {  	_ =	shalt  }
0x64: {  	_ =	shalt  }
0x65: {  	_ =	shalt  }
0x66: {  	_ =	shalt  }
0x67: {  	_ =	shalt  }
0x68: {  	_ =	shalt  }
0x69: {  	_ =	shalt  }
0x6a: {  	_ =	shalt  }
0x6b: {  	_ =	shalt  }
0x6c: {  	_ =	shalt  }
0x6d: {  	_ =	shalt  }
0x6e: {  	_ =	shalt  }
0x6f: {  	_ =	shalt  }
0x70: {  	_ =	shalt  }
0x71: {  	_ =	shalt  }
0x72: {  	_ =	shalt  }
0x73: {  	_ =	shalt  }
0x74: {  	_ =	shalt  }
0x75: {  	_ =	shalt  }
0x76: {  	_ =	shalt  }
0x77: {  	_ =	shalt  }
0x78: {  	_ =	shalt  }
0x79: {  	_ =	shalt  }
0x7a: {  	_ =	shalt  }
0x7b: {  	_ =	shalt  }
0x7c: {  	_ =	shalt  }
0x7d: {  	_ =	shalt  }
0x7e: {  	_ =	shalt  }
0x7f: {  	_ =	shalt  }
0x80: {  	_ =	shalt  }
0x81: {  	_ =	shalt  }
0x82: {  	_ =	shalt  }
0x83: {  	_ =	shalt  }
0x84: {  	_ =	shalt  }
0x85: {  	_ =	shalt  }
0x86: {  	_ =	shalt  }
0x87: {  	_ =	shalt  }
.Lfunc_end0:
.L_simem_size_0:
called_computation.1_lowered:
.L_overlay_start_0:
0x88: {  	s2 =	sld [smem:$0x3FD9]  }
0x89: {  	s3 =	sld [smem:$0x3FFE];
	_ =	sdelay $0x1  }
0x8a: {  	s1 =	srdreg.scid  }
0x8b: {  	s0 =	sand.u32 $0x1, s1  }
0x8c: {  	s17 =	sshll.u32 s0, $0xA;
	s2 =	sadd.s32 s3, s2  }
0x8d: {  	s2 =	sadd.s32 s2, s17  }
0x8e: {  	[smem:$0x3FC3] =	sst s2  }
0x8f: {  	_ = 	snop  }
0x90: {  	s2 =	sld [smem:$0x3FD0];
	(tm) =	ssettm $0x1  }
0x91: {  	s18 =	sld [smem:$0x3FFB];
	_ =	sdelay $0x3  }
0x92: {  	_ =	strace s18  }
0x93: {  	s3 =	sld [smem:$0x3FFC];
	_ =	sdelay $0x3  }
0x94: {  	_ =	strace s3  }
0x95: {  	s3 =	sld [smem:$0x3FFD];
	_ =	sdelay $0x3  }
0x96: {  	_ =	strace s3  }
0x97: {  	_ =	strace $0x8FFFFFFF  }
0x98: {  	s19 =	sld [smem:$0x3FDB];
	_ =	sdelay $0x1  }
0x99: {  	s4 =	simm.s32 $_scs_section_size  }
0x9a: {  	s5 =	simm.s32 $_size__tile_overlayer_lowered;
	s6 =	simm.s32 $_tile_overlayer_lowered  }
0x9b: {  	s22 =	simm.s32 $0x1BFF;
	s21 =	sshll.u32 s6, $0x1;
	s3 =	sadd.s32 s4, s19  }
0x9c: {  	s7 =	simm.s32 $0x0;
	s20 =	sshll.u32 s5, $0x1;
	s5 =	sadd.s32 s21, s3  }
0x9d: {  	[timem:s7], [sflag:s22] =	dma.local [hbm:s5], s20  }
0x9e: {  	_ =	swait.ge [sflag:s22], s20  }
0x9f: {  	s4 =	ssub.s32 $0x0, s20;
	[sflag:s22] =	ssyncset.done $0x0  }
0xa0: {  	[sflag:s22] =	ssyncadd.s32 s4;
	_ =	sdelay $0x1  }
0xa1: {  	s23 =	simm.s32 $0x1B8B  }
0xa2: {  	_ =	swait.ge [sflag:s23], $0x1  }
0xa3: {  	[sflag:s23] =	ssyncset.done $0x0  }
0xa4: {  	s25 =	simm.s32 $0x1B8E;
	s24 =	sld [smem:$0x3FFE];
	[sflag:s23] =	ssyncadd.s32 $0xFFFFFFFF  }
0xa5: {  	s26 =	simm.s32 $execute0_lowered;
	[smem:$0x3FD2] =	sst s25  }
0xa6: {  	s5 =	sshll.u32 s26, $0x1;
	_ =	strace $0x80000049;
	[dreg:$0x1] =	wrdreg $0xFFFFFFFF  }
0xa7: {  	s28 =	simm.s32 $_size_execute0_lowered;
	s3 =	sadd.s32 s3, s5;
	[dreg:$0x0] =	wrdreg $0x0  }
0xa8: {  	s5 =	sshll.u32 s28, $0x1;
	[dreg:$0x2] =	wrdreg s3  }
0xa9: {  	[dreg:$0x3] =	wrdreg s5  }
0xaa: {  	[dreg:$0x4] =	wrdreg $0xC0  }
0xab: {  	_ =	task [dreg:s7], $0x5FFFF  }
0xac: {  	[dreg:$0x1] =	wrdreg $0xFFFFFFFF  }
0xad: {  	[dreg:$0x0] =	wrdreg $0x60  }
0xae: {  	[dreg:$0x2] =	wrdreg s24  }
0xaf: {  	[dreg:$0x3] =	wrdreg s2  }
0xb0: {  	[dreg:$0x4] =	wrdreg $0x98000  }
0xb1: {  	[dreg:$0x5] =	wrdreg $0x9  }
0xb2: {  	_ =	task.clear_ibuf [dreg:s7], $0x6FFFF;
	_ =	strace $0x90000049  }
0xb3: {  	s29 =	simm.s32 $0x9;
	_ =	strace $0x8000004B  }
0xb4: {  	_ =	swait.ge [sflag:s29], $0x1  }
0xb5: {  	[sflag:s29] =	ssyncadd.s32 $0xFFFFFFFF  }
0xb6: {  	_ =	strace $0x9000004B  }
0xb7: {  	_ =	sfence  }
0xb8: {  	s30 =	sld [smem:$0x0];
	_ =	sdelay $0x2  }
0xb9: {  	s31 =	sshll.u32 s1, $0xD;
	s1 =	sshrl.u32 s1, $0x2  }
0xba: {  	s3 =	sand.u32 $0x4000, s31;
	s1 =	sadd.s32 s1, s30  }
0xbb: {  	s0 =	sor.u32 s3, s0;
	s1 =	sshll.u32 s1, $0x11  }
0xbc: {  	s0 =	sor.u32 s1, s0  }
0xbd: {  	s0 =	sadd.s32 $0x8F2B, s0  }
0xbe: {  	[sflag:s0] =	ssyncadd.remote.s32 $0x1  }
0xbf: {  	_ =	sfence.sel $0xFFFF  }
0xc0: {  	[dreg:$0x0] =	wrdreg $0xFFFFFFFF;
	(pc) =	sbr.abs _section_cstart, $3  }
0xc1: {  	[dreg:$0x1] =	wrdreg $0xFFFFFFFF  }
0xc2: {  	_ =	task.clear_ibuf [dreg:s7], $0x2FFFF;
	_ =	strace $0x9FFFFFFF  }
0xc3: {  	(tm) =	ssettm $0x7FFFFFFF  }
tec
execute0_lowered:
.L_overlay_start_1:
0x0: {  	(tag) =	ssettag $0x1  }
0x1: {  	s6 =	rddreg [dreg:$0x0]  }
0x2: {  	s7 =	rddreg [dreg:$0x1]  }
0x3: {  	s0 =	srdreg.scid;
	s2 =	rddreg [dreg:$0x2]  }
0x4: {  	s3 =	simm.s32 $0x0;
	s14 =	simm.s32 $0x80;
	s15 =	simm.s32 $0x5800  }
0x5: {  	s16 =	simm.s32 $0x1;
	s5 =	sand.u32 $0x1, s0;
	s0 =	stileid.u32  }
0x6: {  	s17 =	simm.s32 $0x0;
	[smem:$0x7FF] =	sst s3;
	s9 =	smul.u32 $0x140000, s5  }
0x7: {  	s4 =	sadd.s32 $0x66A00, s6;
	s1 =	sshll.u32 s5, $0x4;
	s10 =	smul.u32 $0x14000, s0  }
0x8: {  	s29 =	ssub.s32 $0x2, s5;
	s13 =	smul.u32 $0x50000, s0;
	s5 =	sadd.s32 $0xE00, s6  }
0x9: {  	s31 =	sshll.u32 s0, $0x6;
	s1 =	sor.u32 s0, s1;
	s12 =	sshrl.u32 s29, $0x1  }
0xa: {  	s8 =	smul.u32 $0x580, s1;
	s1 =	rddreg [dreg:$0x3];
	_ =	strace $0x8000004A  }
0xb: {  	s9 =	sadd.s32 s10, s9;
	s10 =	ssub.s32 s29, s12;
	s30 =	sshrl.u32 s13, $0x2  }
0xc: {  	s12 =	sor.u32 $0x1C02, s31;
	s9 =	sshrl.u32 s9, $0x3;
	s13 =	sadd.s32 s30, s2  }
0xd: {  	s11 =	sadd.s32 s8, s6;
	s9 =	sadd.s32 s9, s6;
	s6 =	sadd.s32 s7, s8  }
0xe: {  	s13 =	sshrl.u32 s13, $0x3;
	s7 =	sadd.s32 $0xBA00, s11;
	s8 =	sadd.s32 $0x8DC00, s9  }
0xf: {  	s9 =	smax.u32 s10, $0x1;
	s10 =	simm.s32 $0x2;
	s11 =	simm.s32 $0x2C00  }
.LBB2_1:
0x10: {  	[tilespmem:s3], [sflag:$0x2] =	stream.linear.gather [hbm4b:s6+s3], $0x2880, $0x38;
	[tilespmem:$0x1D800] =	vst v63  }
0x11: {  	_ =	swait.ge [sflag:s10], $0x2880  }
0x12: {  	[sflag:s10] =	ssyncset.done $0x0  }
0x13: {  	[sflag:s10] =	ssyncadd.s32 $0xFFFFD780  }
0x14: {  	[tilespmem:s11], [sflag:$0x2] =	stream.linear.gather [hbm4b:s7+s3], $0x2880, $0x38;
	[tilespmem:$0x1D800] =	vst v63  }
0x15: {  	_ =	swait.ge [sflag:s10], $0x2880  }
0x16: {  	[sflag:s10] =	ssyncset.done $0x0  }
0x17: {  	[sflag:s10] =	ssyncadd.s32 $0xFFFFD780  }
0x18: {  	[spmem:s13], [sflag:s12] =	dma.local [hbm:s5], $0x2800  }
0x19: {  	_ =	swait.ge [sflag:s10], $0x2800  }
0x1a: {  	[sflag:s10] =	ssyncset.done $0x0  }
0x1b: {  	[sflag:s10] =	ssyncadd.s32 $0xFFFFD800  }
0x1c: {  	s18 =	simm.s32 $0x0;
	[bflag:$0x0] =	sbarrier.arrive $0xFFFF  }
0x1d: {  	[tilespmem:s15], [sflag:$0x1] =	stream.indirect.gather [hbm4b:s4+s14], $0x80, s18, s14, $0xb8;
	[tilespmem:$0x1D800] =	vst v63  }
0x1e: {  	_ =	swait.ge [sflag:s16], $0x4000  }
0x1f: {  	[sflag:s16] =	ssyncset.done $0x0  }
0x20: {  	s31 =	simm.s32 $0x2C00;
	[sflag:s16] =	ssyncadd.s32 $0xFFFFC000  }
0x21: {  	[spmem:s2] =	stream.indirect.scatter.add.f32 [tilespmem:s15], [sflag:$0x2], $0x80, s31, s14, $0xb8;
	[tilespmem:$0x1D800] =	vst v63  }
0x22: {  	_ =	swait.ge [sflag:s10], $0x4000  }
0x23: {  	s19 =	simm.s32 $0x400;
	s18 =	simm.s32 $0x200;
	[sflag:s10] =	ssyncset.done $0x0  }
.LBB2_2:
0x24: {  	s20 =	sshra.s32 s18, $0x2  }
0x25: {  	[sflag:s10] =	ssyncadd.s32 $0xFFFFC000;
	s18 =	smov.u32 s19;
	s21 =	sadd.s32 $0x200, s19  }
0x26: {  	[tilespmem:s15], [sflag:$0x1] =	stream.indirect.gather [hbm4b:s4+s14], $0x80, s20, s14, $0xb8;
	[tilespmem:$0x1D800] =	vst v63  }
0x27: {  	p0 =	sne.s32 s19, $0xA000;
	_ =	swait.ge [sflag:s16], $0x4000  }
.Ltmp0:
0x28: {  	[sflag:s16] =	ssyncset.done $0x0;
	(pc) =	sbr.rel @p0 .LBB2_2-.Ltmp0, $4  }
0x29: {  	s19 =	sadd.s32 $0x2C00, s20;
	[sflag:s16] =	ssyncadd.s32 $0xFFFFC000  }
0x2a: {  	[spmem:s2] =	stream.indirect.scatter.add.f32 [tilespmem:s15], [sflag:$0x2], $0x80, s19, s14, $0xb8;
	[tilespmem:$0x1D800] =	vst v63  }
0x2b: {  	_ =	swait.ge [sflag:s10], $0x4000  }
0x2c: {  	s19 =	smov.u32 s21;
	[sflag:s10] =	ssyncset.done $0x0  }
0x2d: {  	s18 =	sshra.s32 s18, $0x2;
	[sflag:s10] =	ssyncadd.s32 $0xFFFFC000  }
0x2e: {  	[tilespmem:s15], [sflag:$0x1] =	stream.indirect.gather [hbm4b:s4+s14], $0x80, s18, s14, $0xb8;
	[tilespmem:$0x1D800] =	vst v63  }
0x2f: {  	_ =	swait.ge [sflag:s16], $0x4000  }
0x30: {  	[sflag:s16] =	ssyncset.done $0x0  }
0x31: {  	s18 =	sadd.s32 $0x2C00, s18;
	[sflag:s16] =	ssyncadd.s32 $0xFFFFC000  }
0x32: {  	[spmem:s2] =	stream.indirect.scatter.add.f32 [tilespmem:s15], [sflag:$0x2], $0x80, s18, s14, $0xb8;
	[tilespmem:$0x1D800] =	vst v63  }
0x33: {  	_ =	swait.ge [sflag:s10], $0x4000  }
0x34: {  	s17 =	sadd.s32 $0x1, s17;
	[sflag:s10] =	ssyncset.done $0x0  }
0x35: {  	p0 =	sne.s32 s17, s9;
	[sflag:s10] =	ssyncadd.s32 $0xFFFFC000  }
.Ltmp1:
0x36: {  	[bflag:$0x0] =	sbarrier.arrive $0xFFFF;
	(pc) =	sbr.rel @p0 .LBB2_1-.Ltmp1, $4  }
0x37: {  	[hbm:s8], [sflag:s12] =	dma.local [spmem:s13], $0x2800  }
0x38: {  	_ =	swait.ge [sflag:s10], $0x2800  }
0x39: {  	[sflag:s10] =	ssyncset.done $0x0  }
0x3a: {  	[sflag:s10] =	ssyncadd.s32 $0xFFFFD800  }
0x3b: {  	_ =	sfence.sel $0x180000  }
0x3c: {  	[bflag:$0x0] =	sbarrier.arrive $0xFFFF  }
0x3d: {  	p0 =	sne.s32 s0, $0x0;
	_ =	strace $0x9000004A  }
0x3e: {  	s0 =	sadd.s32 @!p0 $0x100000, s1;
	[bflag:$0x2] =	sbarrier.arrive $0xFFFF  }
0x3f: {  	[sflag:s0] =	ssyncadd.tile.s32 @!p0 $0x1;
	_ =	shalt  }
.Lfunc_end2:
_tile_overlayer_lowered:
.L_overlay_start_2:
0x40: {  	(tag) =	ssettag $0x2  }
0x41: {  	s0 =	rddreg [dreg:$0x0];
	s2 =	stileid.u32  }
0x42: {  	s1 =	rddreg [dreg:$0x1];
	p0 =	sne.s32 s2, $0x0  }
0x43: {  	s3 =	rddreg [dreg:$0x2];
	[bflag:$0x3] =	sbarrier.arrive $0xFFFF;
	s2 =	simm.s32 @!p0 $0x1C02  }
0x44: {  	[timem:s3], [sflag:s2] =	dma.local @!p0 [hbm:s0], s1  }
0x45: {  	s0 =	simm.s32 @!p0 $0x2  }
0x46: {  	_ =	swait.ge @!p0 [sflag:s0], s1  }
0x47: {  	s1 =	ssub.s32 @!p0 $0x0, s1;
	[sflag:s0] =	ssyncset.done @!p0 $0x0  }
0x48: {  	[sflag:s0] =	ssyncadd.s32 @!p0 s1  }
0x49: {  	[bflag:$0x3] =	sbarrier.arrive $0xFFFF  }
0x4a: {  	_ =	shalt  }

</sc_bundles>
